<compile_context>
chip_gen: v7x
topology: tpu7x:2x2x1
jax: 0.10.2.dev20260603
libtpu: 0.0.44.dev20260713+nightly
codegen_flags: <defaults>
</compile_context>

<pallas_src>
import functools

import jax
import jax.numpy as jnp
from jax import lax
from jax.experimental import pallas as pl
from jax.experimental.pallas import tpu as pltpu
from jax.experimental.pallas import tpu_sc as plsc

B = 16384
ENUM = 32
IN_FEATS = 80

STAND_ROWS = 65
TAXI_OFF = 72
HR_OFF = 1080
WEEK_OFF = 1128
PS_ROWS = 1136

B_CHUNK = 2048
PC_CHUNK = 13312
PC_GRID = 8
PC_ROWS = PC_CHUNK * PC_GRID

NC, NS, LANES = 2, 16, 16
NW = NC * NS
ROWS_PER_W = B // NW
GROUPS = ROWS_PER_W // LANES
IDX_CHUNK = 128
N_CHUNKS = ROWS_PER_W // IDX_CHUNK

_DOT10 = (((1,), (0,)), ((), ()))


def _tc_body(xt_ref, w_ref, b_ref, st_ref, tx_ref, hr_ref, wk_ref, cet_ref,
             d0_ref, d1_ref, ps0_ref, ps1_ref, pc0_ref, pc1_ref):
    f32 = jnp.float32
    w = w_ref[...]

    d = lax.dot_general(w[:, 0:IN_FEATS], xt_ref[...], _DOT10,
                        preferred_element_type=f32)
    d0_ref[...] = d[0] + b_ref[0, 0]
    d1_ref[...] = d[1] + b_ref[0, 1]

    pc = lax.dot_general(w[:, IN_FEATS:IN_FEATS + ENUM], cet_ref[...], _DOT10,
                         preferred_element_type=f32)
    pc0_ref[...] = pc[0]
    pc1_ref[...] = pc[1]

    @pl.when(pl.program_id(0) == 0)
    def _():
        for ref, r0, rows, woff in ((st_ref, 0, STAND_ROWS, 112),
                                    (tx_ref, TAXI_OFF, 1000, 144),
                                    (hr_ref, HR_OFF, 48, 176),
                                    (wk_ref, WEEK_OFF, 7, 208)):
            p = lax.dot_general(w[:, woff:woff + ENUM], ref[...], _DOT10,
                                preferred_element_type=f32)
            ps0_ref[r0:r0 + rows] = p[0]
            ps1_ref[r0:r0 + rows] = p[1]


def _sc_body(d0_hbm, d1_hbm, call_hbm, stand_hbm, taxi_hbm, hr_hbm, week_hbm,
             ps0_hbm, ps1_hbm, pc0_hbm, pc1_hbm, out_hbm,
             call_v, st_v, tx_v, hr_v, wk_v,
             d0_v, d1_v, ps0_v, ps1_v, c0_v, c1_v, out0_v, out1_v, sem, sem2):
    wid = lax.axis_index("s") * NC + lax.axis_index("c")
    base = wid * ROWS_PER_W
    bsl = pl.ds(base, ROWS_PER_W)

    call_cp = pltpu.async_copy(call_hbm.at[bsl], call_v, sem)
    stage = [
        pltpu.async_copy(stand_hbm.at[bsl], st_v, sem2),
        pltpu.async_copy(taxi_hbm.at[bsl], tx_v, sem2),
        pltpu.async_copy(hr_hbm.at[bsl], hr_v, sem2),
        pltpu.async_copy(week_hbm.at[bsl], wk_v, sem2),
        pltpu.async_copy(d0_hbm.at[bsl], d0_v, sem2),
        pltpu.async_copy(d1_hbm.at[bsl], d1_v, sem2),
        pltpu.async_copy(ps0_hbm, ps0_v, sem2),
        pltpu.async_copy(ps1_hbm, ps1_v, sem2),
    ]
    call_cp.wait()

    for k in range(GROUPS):
        sl = pl.ds(k * LANES, LANES)
        call_v[sl] = call_v[sl] + 1

    gathers = []
    for j in range(N_CHUNKS):
        sl = pl.ds(j * IDX_CHUNK, IDX_CHUNK)
        gathers.append(pltpu.async_copy(pc0_hbm.at[call_v.at[sl]], c0_v.at[sl], sem))
        gathers.append(pltpu.async_copy(pc1_hbm.at[call_v.at[sl]], c1_v.at[sl], sem))
    for c in stage:
        c.wait()
    for c in gathers:
        c.wait()

    def group(g, carry):
        sl = pl.ds(g * LANES, LANES)
        acc0 = d0_v[sl] + c0_v[sl]
        acc1 = d1_v[sl] + c1_v[sl]
        for idx_ref, off in ((st_v, 1), (tx_v, TAXI_OFF), (hr_v, HR_OFF),
                             (wk_v, WEEK_OFF)):
            iv = idx_ref[sl] + off
            acc0 = acc0 + plsc.load_gather(ps0_v, [iv])
            acc1 = acc1 + plsc.load_gather(ps1_v, [iv])
        out0_v[sl] = acc0
        out1_v[sl] = acc1
        return carry

    lax.fori_loop(0, GROUPS, group, 0)
    outs = []
    for q in range(ROWS_PER_W // 128):
        qsl = pl.ds(q * 128, 128)
        nb = base // 128 + q
        outs.append(pltpu.async_copy(out0_v.at[qsl], out_hbm.at[nb, 0], sem))
        outs.append(pltpu.async_copy(out1_v.at[qsl], out_hbm.at[nb, 1], sem))
    for c in outs:
        c.wait()


_sc_call = functools.partial(
    pl.kernel,
    out_type=jax.ShapeDtypeStruct((B // 128, 2, 128), jnp.float32),
    compiler_params=pltpu.CompilerParams(
        needs_layout_passes=False, use_tc_tiling_on_sc=False,
    ),
    mesh=plsc.VectorSubcoreMesh(
        core_axis_name="c", subcore_axis_name="s",
        num_cores=NC, num_subcores=NS,
    ),
    scratch_types=[
        pltpu.VMEM((ROWS_PER_W,), jnp.int32),
        pltpu.VMEM((ROWS_PER_W,), jnp.int32),
        pltpu.VMEM((ROWS_PER_W,), jnp.int32),
        pltpu.VMEM((ROWS_PER_W,), jnp.int32),
        pltpu.VMEM((ROWS_PER_W,), jnp.int32),
        pltpu.VMEM((ROWS_PER_W,), jnp.float32),
        pltpu.VMEM((ROWS_PER_W,), jnp.float32),
        pltpu.VMEM((PS_ROWS,), jnp.float32),
        pltpu.VMEM((PS_ROWS,), jnp.float32),
        pltpu.VMEM((ROWS_PER_W,), jnp.float32),
        pltpu.VMEM((ROWS_PER_W,), jnp.float32),
        pltpu.VMEM((ROWS_PER_W,), jnp.float32),
        pltpu.VMEM((ROWS_PER_W,), jnp.float32),
        pltpu.SemaphoreType.DMA,
        pltpu.SemaphoreType.DMA,
    ],
)(_sc_body)


def kernel(inputs, call, stand, taxi, hr, week, callemb, standemb, taxiemb,
           hremb, weekemb, W, b):
    f32 = jnp.float32
    i32 = jnp.int32

    d0, d1, ps0, ps1, pc0, pc1 = pl.pallas_call(
        _tc_body,
        grid=(PC_GRID,),
        in_specs=[
            pl.BlockSpec((IN_FEATS, B_CHUNK), lambda i: (0, i)),
            pl.BlockSpec((2, 240), lambda i: (0, 0)),
            pl.BlockSpec((1, 2), lambda i: (0, 0)),
            pl.BlockSpec((ENUM, STAND_ROWS), lambda i: (0, 0)),
            pl.BlockSpec((ENUM, 1000), lambda i: (0, 0)),
            pl.BlockSpec((ENUM, 48), lambda i: (0, 0)),
            pl.BlockSpec((ENUM, 7), lambda i: (0, 0)),
            pl.BlockSpec((ENUM, PC_CHUNK), lambda i: (0, i)),
        ],
        out_specs=[
            pl.BlockSpec((B_CHUNK,), lambda i: (i,)),
            pl.BlockSpec((B_CHUNK,), lambda i: (i,)),
            pl.BlockSpec((PS_ROWS,), lambda i: (0,)),
            pl.BlockSpec((PS_ROWS,), lambda i: (0,)),
            pl.BlockSpec((PC_CHUNK,), lambda i: (i,)),
            pl.BlockSpec((PC_CHUNK,), lambda i: (i,)),
        ],
        out_shape=[
            jax.ShapeDtypeStruct((B,), f32),
            jax.ShapeDtypeStruct((B,), f32),
            jax.ShapeDtypeStruct((PS_ROWS,), f32),
            jax.ShapeDtypeStruct((PS_ROWS,), f32),
            jax.ShapeDtypeStruct((PC_ROWS,), f32),
            jax.ShapeDtypeStruct((PC_ROWS,), f32),
        ],
    )(inputs.T, W, b.reshape(1, 2), standemb.T, taxiemb.T, hremb.T,
      weekemb.T, callemb.T)

    out3 = _sc_call(d0, d1, call.astype(i32), stand.astype(i32),
                    taxi.astype(i32), hr.astype(i32), week.astype(i32),
                    ps0, ps1, pc0, pc1)
    return jnp.swapaxes(out3, 1, 2).reshape(B, 2)

# --- scband reference (transcript-rebuilt; emitter-appended) ---
"""Pipeline reference for scband-mlpmeta-77893526880865 (READ-ONLY COPY).

The authoritative reference and input builder live on the scoring server;
editing this copy changes nothing except your own understanding.
"""

import jax, jax.numpy as jnp
import numpy as np

B = 16384
ENUM = 32
POINTNUM = 20
CALL_VOCAB = 100000
STAND_VOCAB = 64
TAXI_VOCAB = 1000


def setup_inputs(seed: int = 0) -> dict:
    key = jax.random.key(seed)
    ks = jax.random.split(key, 13)
    inputs = jax.random.normal(ks[0], (B, POINTNUM * 2 * 2), dtype=jnp.float32)
    call = jax.random.randint(ks[1], (B,), 0, CALL_VOCAB, dtype=jnp.int64 if jax.config.jax_enable_x64 else jnp.int32)
    stand = jax.random.randint(ks[2], (B,), 0, STAND_VOCAB)
    taxi = jax.random.randint(ks[3], (B,), 0, TAXI_VOCAB)
    hr = jax.random.randint(ks[4], (B,), 0, 48)
    week = jax.random.randint(ks[5], (B,), 0, 7)
    callemb = jax.random.normal(ks[6], (CALL_VOCAB + 1, ENUM), dtype=jnp.float32) * 0.02
    standemb = jax.random.normal(ks[7], (STAND_VOCAB + 1, ENUM), dtype=jnp.float32) * 0.02
    taxiemb = jax.random.normal(ks[8], (TAXI_VOCAB, ENUM), dtype=jnp.float32) * 0.02
    hremb = jax.random.normal(ks[9], (48, ENUM), dtype=jnp.float32) * 0.02
    weekemb = jax.random.normal(ks[10], (7, ENUM), dtype=jnp.float32) * 0.02
    in_dim = POINTNUM * 2 * 2 + 5 * ENUM
    W = jax.random.normal(ks[11], (2, in_dim), dtype=jnp.float32) * (1.0 / np.sqrt(in_dim))
    b = jnp.zeros((2,), dtype=jnp.float32)
    return {"inputs": inputs, "call": call, "stand": stand, "taxi": taxi, "hr": hr,
            "week": week, "callemb": callemb, "standemb": standemb, "taxiemb": taxiemb,
            "hremb": hremb, "weekemb": weekemb, "W": W, "b": b}


def reference(inputs, call, stand, taxi, hr, week, callemb, standemb, taxiemb, hremb, weekemb, W, b):
    c = jnp.take(callemb, call + 1, axis=0)
    s = jnp.take(standemb, stand + 1, axis=0)
    t = jnp.take(taxiemb, taxi, axis=0)
    h = jnp.take(hremb, hr, axis=0)
    w = jnp.take(weekemb, week, axis=0)
    res = jnp.concatenate([inputs, c, s, t, h, w], axis=1)
    return res @ W.T + b

if __name__ == "__main__":
    import jax
    _d = setup_inputs()
    print(jax.jit(kernel)(*tuple(_d.values())))

</pallas_src>

<mosaic_0001>
#map = affine_map<(d0, d1) -> (0)>
#map1 = affine_map<(d0, d1) -> (0, 0, 0)>
module attributes {stable_mosaic.version = 14 : i64} {
  func.func @_sc_body(%arg0: i32, %arg1: i32, %arg2: memref<16384xf32, #tpu.memory_space<hbm>>, %arg3: memref<16384xf32, #tpu.memory_space<hbm>>, %arg4: memref<16384xi32, #tpu.memory_space<hbm>>, %arg5: memref<16384xi32, #tpu.memory_space<hbm>>, %arg6: memref<16384xi32, #tpu.memory_space<hbm>>, %arg7: memref<16384xi32, #tpu.memory_space<hbm>>, %arg8: memref<16384xi32, #tpu.memory_space<hbm>>, %arg9: memref<1136xf32, #tpu.memory_space<hbm>>, %arg10: memref<1136xf32, #tpu.memory_space<hbm>>, %arg11: memref<106496xf32, #tpu.memory_space<hbm>>, %arg12: memref<106496xf32, #tpu.memory_space<hbm>>, %arg13: memref<128x2x128xf32, #tpu.memory_space<hbm>>, %arg14: memref<512xi32, #tpu.memory_space<vmem>>, %arg15: memref<512xi32, #tpu.memory_space<vmem>>, %arg16: memref<512xi32, #tpu.memory_space<vmem>>, %arg17: memref<512xi32, #tpu.memory_space<vmem>>, %arg18: memref<512xi32, #tpu.memory_space<vmem>>, %arg19: memref<512xf32, #tpu.memory_space<vmem>>, %arg20: memref<512xf32, #tpu.memory_space<vmem>>, %arg21: memref<1136xf32, #tpu.memory_space<vmem>>, %arg22: memref<1136xf32, #tpu.memory_space<vmem>>, %arg23: memref<512xf32, #tpu.memory_space<vmem>>, %arg24: memref<512xf32, #tpu.memory_space<vmem>>, %arg25: memref<512xf32, #tpu.memory_space<vmem>>, %arg26: memref<512xf32, #tpu.memory_space<vmem>>, %arg27: memref<!tpu.dma_semaphore, #tpu.memory_space<semaphore_mem>>, %arg28: memref<!tpu.dma_semaphore, #tpu.memory_space<semaphore_mem>>) attributes {dimension_semantics = [#tpu.dimension_semantics<core_parallel>, #tpu.dimension_semantics<subcore_parallel>], iteration_bounds = array<i64: 2, 16>, scalar_prefetch = 0 : i64, scratch_operands = 15 : i64, tpu.core_type = #tpu.core_type<sc_vector_subcore>, window_params = [{transform_indices = #map}, {transform_indices = #map}, {transform_indices = #map}, {transform_indices = #map}, {transform_indices = #map}, {transform_indices = #map}, {transform_indices = #map}, {transform_indices = #map}, {transform_indices = #map}, {transform_indices = #map}, {transform_indices = #map}, {transform_indices = #map1}]} {
    %mul3A = arith.constant 2 : i32
    %mul3A_0 = arith.muli %arg1, %mul3A : i32
    %add3A = arith.addi %mul3A_0, %arg0 : i32
    %mul3A_1 = arith.constant 512 : i32
    %mul3A_2 = arith.muli %add3A, %mul3A_1 : i32
    %dma_start3A = tpu.memref_slice %arg4[%mul3A_2] : memref<16384xi32, #tpu.memory_space<hbm>> -> memref<512xi32, #tpu.memory_space<hbm>>
    %dma_start3A_3 = tpu.memref_slice %arg4[%mul3A_2] : memref<16384xi32, #tpu.memory_space<hbm>> -> memref<512xi32, #tpu.memory_space<hbm>>
    tpu.enqueue_dma source(%dma_start3A_3 : memref<512xi32, #tpu.memory_space<hbm>>) target(%arg14 : memref<512xi32, #tpu.memory_space<vmem>>) target_semaphore(%arg27 : memref<!tpu.dma_semaphore, #tpu.memory_space<semaphore_mem>>)
    %dma_start3A_4 = tpu.memref_slice %arg5[%mul3A_2] : memref<16384xi32, #tpu.memory_space<hbm>> -> memref<512xi32, #tpu.memory_space<hbm>>
    %dma_start3A_5 = tpu.memref_slice %arg5[%mul3A_2] : memref<16384xi32, #tpu.memory_space<hbm>> -> memref<512xi32, #tpu.memory_space<hbm>>
    tpu.enqueue_dma source(%dma_start3A_5 : memref<512xi32, #tpu.memory_space<hbm>>) target(%arg15 : memref<512xi32, #tpu.memory_space<vmem>>) target_semaphore(%arg28 : memref<!tpu.dma_semaphore, #tpu.memory_space<semaphore_mem>>)
    %dma_start3A_6 = tpu.memref_slice %arg6[%mul3A_2] : memref<16384xi32, #tpu.memory_space<hbm>> -> memref<512xi32, #tpu.memory_space<hbm>>
    %dma_start3A_7 = tpu.memref_slice %arg6[%mul3A_2] : memref<16384xi32, #tpu.memory_space<hbm>> -> memref<512xi32, #tpu.memory_space<hbm>>
    tpu.enqueue_dma source(%dma_start3A_7 : memref<512xi32, #tpu.memory_space<hbm>>) target(%arg16 : memref<512xi32, #tpu.memory_space<vmem>>) target_semaphore(%arg28 : memref<!tpu.dma_semaphore, #tpu.memory_space<semaphore_mem>>)
    %dma_start3A_8 = tpu.memref_slice %arg7[%mul3A_2] : memref<16384xi32, #tpu.memory_space<hbm>> -> memref<512xi32, #tpu.memory_space<hbm>>
    %dma_start3A_9 = tpu.memref_slice %arg7[%mul3A_2] : memref<16384xi32, #tpu.memory_space<hbm>> -> memref<512xi32, #tpu.memory_space<hbm>>
    tpu.enqueue_dma source(%dma_start3A_9 : memref<512xi32, #tpu.memory_space<hbm>>) target(%arg17 : memref<512xi32, #tpu.memory_space<vmem>>) target_semaphore(%arg28 : memref<!tpu.dma_semaphore, #tpu.memory_space<semaphore_mem>>)
    %dma_start3A_10 = tpu.memref_slice %arg8[%mul3A_2] : memref<16384xi32, #tpu.memory_space<hbm>> -> memref<512xi32, #tpu.memory_space<hbm>>
    %dma_start3A_11 = tpu.memref_slice %arg8[%mul3A_2] : memref<16384xi32, #tpu.memory_space<hbm>> -> memref<512xi32, #tpu.memory_space<hbm>>
    tpu.enqueue_dma source(%dma_start3A_11 : memref<512xi32, #tpu.memory_space<hbm>>) target(%arg18 : memref<512xi32, #tpu.memory_space<vmem>>) target_semaphore(%arg28 : memref<!tpu.dma_semaphore, #tpu.memory_space<semaphore_mem>>)
    %dma_start3A_12 = tpu.memref_slice %arg2[%mul3A_2] : memref<16384xf32, #tpu.memory_space<hbm>> -> memref<512xf32, #tpu.memory_space<hbm>>
    %dma_start3A_13 = tpu.memref_slice %arg2[%mul3A_2] : memref<16384xf32, #tpu.memory_space<hbm>> -> memref<512xf32, #tpu.memory_space<hbm>>
    tpu.enqueue_dma source(%dma_start3A_13 : memref<512xf32, #tpu.memory_space<hbm>>) target(%arg19 : memref<512xf32, #tpu.memory_space<vmem>>) target_semaphore(%arg28 : memref<!tpu.dma_semaphore, #tpu.memory_space<semaphore_mem>>)
    %dma_start3A_14 = tpu.memref_slice %arg3[%mul3A_2] : memref<16384xf32, #tpu.memory_space<hbm>> -> memref<512xf32, #tpu.memory_space<hbm>>
    %dma_start3A_15 = tpu.memref_slice %arg3[%mul3A_2] : memref<16384xf32, #tpu.memory_space<hbm>> -> memref<512xf32, #tpu.memory_space<hbm>>
    tpu.enqueue_dma source(%dma_start3A_15 : memref<512xf32, #tpu.memory_space<hbm>>) target(%arg20 : memref<512xf32, #tpu.memory_space<vmem>>) target_semaphore(%arg28 : memref<!tpu.dma_semaphore, #tpu.memory_space<semaphore_mem>>)
    tpu.enqueue_dma source(%arg9 : memref<1136xf32, #tpu.memory_space<hbm>>) target(%arg21 : memref<1136xf32, #tpu.memory_space<vmem>>) target_semaphore(%arg28 : memref<!tpu.dma_semaphore, #tpu.memory_space<semaphore_mem>>)
    tpu.enqueue_dma source(%arg10 : memref<1136xf32, #tpu.memory_space<hbm>>) target(%arg22 : memref<1136xf32, #tpu.memory_space<vmem>>) target_semaphore(%arg28 : memref<!tpu.dma_semaphore, #tpu.memory_space<semaphore_mem>>)
    %dma_wait3A = tpu.memref_slice %arg4[%mul3A_2] : memref<16384xi32, #tpu.memory_space<hbm>> -> memref<512xi32, #tpu.memory_space<hbm>>
    %dma_wait3A_16 = tpu.memref_slice %arg4[%mul3A_2] : memref<16384xi32, #tpu.memory_space<hbm>> -> memref<512xi32, #tpu.memory_space<hbm>>
    tpu.wait_dma2 semaphore(%arg27 : memref<!tpu.dma_semaphore, #tpu.memory_space<semaphore_mem>>) src(%dma_wait3A_16 : memref<512xi32, #tpu.memory_space<hbm>>) dst(%arg14 : memref<512xi32, #tpu.memory_space<vmem>>)
    %get3A = arith.constant 0 : index
    %get3A_17 = tpu.vector_load %arg14[%get3A] {strides = array<i32>} : memref<512xi32, #tpu.memory_space<vmem>>, vector<16xi32>,
    %add3A_18 = arith.constant 1 : i32
    %add3A_19 = vector.broadcast %add3A_18 : i32 to vector<16xi32>
    %add3A_20 = arith.addi %get3A_17, %add3A_19 : vector<16xi32>
    %swap3A = arith.constant 0 : index
    %swap3A_21 = tpu.vector_load %arg14[%swap3A] {strides = array<i32>} : memref<512xi32, #tpu.memory_space<vmem>>, vector<16xi32>,
    tpu.vector_store %arg14[%swap3A], %add3A_20 {strides = array<i32>} : memref<512xi32, #tpu.memory_space<vmem>>, vector<16xi32>,
    %get3A_22 = arith.constant 16 : index
    %get3A_23 = tpu.vector_load %arg14[%get3A_22] {strides = array<i32>} : memref<512xi32, #tpu.memory_space<vmem>>, vector<16xi32>,
    %add3A_24 = arith.constant 1 : i32
    %add3A_25 = vector.broadcast %add3A_24 : i32 to vector<16xi32>
    %add3A_26 = arith.addi %get3A_23, %add3A_25 : vector<16xi32>
    %swap3A_27 = arith.constant 16 : index
    %swap3A_28 = tpu.vector_load %arg14[%swap3A_27] {strides = array<i32>} : memref<512xi32, #tpu.memory_space<vmem>>, vector<16xi32>,
    tpu.vector_store %arg14[%swap3A_27], %add3A_26 {strides = array<i32>} : memref<512xi32, #tpu.memory_space<vmem>>, vector<16xi32>,
    %get3A_29 = arith.constant 32 : index
    %get3A_30 = tpu.vector_load %arg14[%get3A_29] {strides = array<i32>} : memref<512xi32, #tpu.memory_space<vmem>>, vector<16xi32>,
    %add3A_31 = arith.constant 1 : i32
    %add3A_32 = vector.broadcast %add3A_31 : i32 to vector<16xi32>
    %add3A_33 = arith.addi %get3A_30, %add3A_32 : vector<16xi32>
    %swap3A_34 = arith.constant 32 : index
    %swap3A_35 = tpu.vector_load %arg14[%swap3A_34] {strides = array<i32>} : memref<512xi32, #tpu.memory_space<vmem>>, vector<16xi32>,
    tpu.vector_store %arg14[%swap3A_34], %add3A_33 {strides = array<i32>} : memref<512xi32, #tpu.memory_space<vmem>>, vector<16xi32>,
    %get3A_36 = arith.constant 48 : index
    %get3A_37 = tpu.vector_load %arg14[%get3A_36] {strides = array<i32>} : memref<512xi32, #tpu.memory_space<vmem>>, vector<16xi32>,
    %add3A_38 = arith.constant 1 : i32
    %add3A_39 = vector.broadcast %add3A_38 : i32 to vector<16xi32>
    %add3A_40 = arith.addi %get3A_37, %add3A_39 : vector<16xi32>
    %swap3A_41 = arith.constant 48 : index
    %swap3A_42 = tpu.vector_load %arg14[%swap3A_41] {strides = array<i32>} : memref<512xi32, #tpu.memory_space<vmem>>, vector<16xi32>,
    tpu.vector_store %arg14[%swap3A_41], %add3A_40 {strides = array<i32>} : memref<512xi32, #tpu.memory_space<vmem>>, vector<16xi32>,
    %get3A_43 = arith.constant 64 : index
    %get3A_44 = tpu.vector_load %arg14[%get3A_43] {strides = array<i32>} : memref<512xi32, #tpu.memory_space<vmem>>, vector<16xi32>,
    %add3A_45 = arith.constant 1 : i32
    %add3A_46 = vector.broadcast %add3A_45 : i32 to vector<16xi32>
    %add3A_47 = arith.addi %get3A_44, %add3A_46 : vector<16xi32>
    %swap3A_48 = arith.constant 64 : index
    %swap3A_49 = tpu.vector_load %arg14[%swap3A_48] {strides = array<i32>} : memref<512xi32, #tpu.memory_space<vmem>>, vector<16xi32>,
    tpu.vector_store %arg14[%swap3A_48], %add3A_47 {strides = array<i32>} : memref<512xi32, #tpu.memory_space<vmem>>, vector<16xi32>,
    %get3A_50 = arith.constant 80 : index
    %get3A_51 = tpu.vector_load %arg14[%get3A_50] {strides = array<i32>} : memref<512xi32, #tpu.memory_space<vmem>>, vector<16xi32>,
    %add3A_52 = arith.constant 1 : i32
    %add3A_53 = vector.broadcast %add3A_52 : i32 to vector<16xi32>
    %add3A_54 = arith.addi %get3A_51, %add3A_53 : vector<16xi32>
    %swap3A_55 = arith.constant 80 : index
    %swap3A_56 = tpu.vector_load %arg14[%swap3A_55] {strides = array<i32>} : memref<512xi32, #tpu.memory_space<vmem>>, vector<16xi32>,
    tpu.vector_store %arg14[%swap3A_55], %add3A_54 {strides = array<i32>} : memref<512xi32, #tpu.memory_space<vmem>>, vector<16xi32>,
    %get3A_57 = arith.constant 96 : index
    %get3A_58 = tpu.vector_load %arg14[%get3A_57] {strides = array<i32>} : memref<512xi32, #tpu.memory_space<vmem>>, vector<16xi32>,
    %add3A_59 = arith.constant 1 : i32
    %add3A_60 = vector.broadcast %add3A_59 : i32 to vector<16xi32>
    %add3A_61 = arith.addi %get3A_58, %add3A_60 : vector<16xi32>
    %swap3A_62 = arith.constant 96 : index
    %swap3A_63 = tpu.vector_load %arg14[%swap3A_62] {strides = array<i32>} : memref<512xi32, #tpu.memory_space<vmem>>, vector<16xi32>,
    tpu.vector_store %arg14[%swap3A_62], %add3A_61 {strides = array<i32>} : memref<512xi32, #tpu.memory_space<vmem>>, vector<16xi32>,
    %get3A_64 = arith.constant 112 : index
    %get3A_65 = tpu.vector_load %arg14[%get3A_64] {strides = array<i32>} : memref<512xi32, #tpu.memory_space<vmem>>, vector<16xi32>,
    %add3A_66 = arith.constant 1 : i32
    %add3A_67 = vector.broadcast %add3A_66 : i32 to vector<16xi32>
    %add3A_68 = arith.addi %get3A_65, %add3A_67 : vector<16xi32>
    %swap3A_69 = arith.constant 112 : index
    %swap3A_70 = tpu.vector_load %arg14[%swap3A_69] {strides = array<i32>} : memref<512xi32, #tpu.memory_space<vmem>>, vector<16xi32>,
    tpu.vector_store %arg14[%swap3A_69], %add3A_68 {strides = array<i32>} : memref<512xi32, #tpu.memory_space<vmem>>, vector<16xi32>,
    %get3A_71 = arith.constant 128 : index
    %get3A_72 = tpu.vector_load %arg14[%get3A_71] {strides = array<i32>} : memref<512xi32, #tpu.memory_space<vmem>>, vector<16xi32>,
    %add3A_73 = arith.constant 1 : i32
    %add3A_74 = vector.broadcast %add3A_73 : i32 to vector<16xi32>
    %add3A_75 = arith.addi %get3A_72, %add3A_74 : vector<16xi32>
    %swap3A_76 = arith.constant 128 : index
    %swap3A_77 = tpu.vector_load %arg14[%swap3A_76] {strides = array<i32>} : memref<512xi32, #tpu.memory_space<vmem>>, vector<16xi32>,
    tpu.vector_store %arg14[%swap3A_76], %add3A_75 {strides = array<i32>} : memref<512xi32, #tpu.memory_space<vmem>>, vector<16xi32>,
    %get3A_78 = arith.constant 144 : index
    %get3A_79 = tpu.vector_load %arg14[%get3A_78] {strides = array<i32>} : memref<512xi32, #tpu.memory_space<vmem>>, vector<16xi32>,
    %add3A_80 = arith.constant 1 : i32
    %add3A_81 = vector.broadcast %add3A_80 : i32 to vector<16xi32>
    %add3A_82 = arith.addi %get3A_79, %add3A_81 : vector<16xi32>
    %swap3A_83 = arith.constant 144 : index
    %swap3A_84 = tpu.vector_load %arg14[%swap3A_83] {strides = array<i32>} : memref<512xi32, #tpu.memory_space<vmem>>, vector<16xi32>,
    tpu.vector_store %arg14[%swap3A_83], %add3A_82 {strides = array<i32>} : memref<512xi32, #tpu.memory_space<vmem>>, vector<16xi32>,
    %get3A_85 = arith.constant 160 : index
    %get3A_86 = tpu.vector_load %arg14[%get3A_85] {strides = array<i32>} : memref<512xi32, #tpu.memory_space<vmem>>, vector<16xi32>,
    %add3A_87 = arith.constant 1 : i32
    %add3A_88 = vector.broadcast %add3A_87 : i32 to vector<16xi32>
    %add3A_89 = arith.addi %get3A_86, %add3A_88 : vector<16xi32>
    %swap3A_90 = arith.constant 160 : index
    %swap3A_91 = tpu.vector_load %arg14[%swap3A_90] {strides = array<i32>} : memref<512xi32, #tpu.memory_space<vmem>>, vector<16xi32>,
    tpu.vector_store %arg14[%swap3A_90], %add3A_89 {strides = array<i32>} : memref<512xi32, #tpu.memory_space<vmem>>, vector<16xi32>,
    %get3A_92 = arith.constant 176 : index
    %get3A_93 = tpu.vector_load %arg14[%get3A_92] {strides = array<i32>} : memref<512xi32, #tpu.memory_space<vmem>>, vector<16xi32>,
    %add3A_94 = arith.constant 1 : i32
    %add3A_95 = vector.broadcast %add3A_94 : i32 to vector<16xi32>
    %add3A_96 = arith.addi %get3A_93, %add3A_95 : vector<16xi32>
    %swap3A_97 = arith.constant 176 : index
    %swap3A_98 = tpu.vector_load %arg14[%swap3A_97] {strides = array<i32>} : memref<512xi32, #tpu.memory_space<vmem>>, vector<16xi32>,
    tpu.vector_store %arg14[%swap3A_97], %add3A_96 {strides = array<i32>} : memref<512xi32, #tpu.memory_space<vmem>>, vector<16xi32>,
    %get3A_99 = arith.constant 192 : index
    %get3A_100 = tpu.vector_load %arg14[%get3A_99] {strides = array<i32>} : memref<512xi32, #tpu.memory_space<vmem>>, vector<16xi32>,
    %add3A_101 = arith.constant 1 : i32
    %add3A_102 = vector.broadcast %add3A_101 : i32 to vector<16xi32>
    %add3A_103 = arith.addi %get3A_100, %add3A_102 : vector<16xi32>
    %swap3A_104 = arith.constant 192 : index
    %swap3A_105 = tpu.vector_load %arg14[%swap3A_104] {strides = array<i32>} : memref<512xi32, #tpu.memory_space<vmem>>, vector<16xi32>,
    tpu.vector_store %arg14[%swap3A_104], %add3A_103 {strides = array<i32>} : memref<512xi32, #tpu.memory_space<vmem>>, vector<16xi32>,
    %get3A_106 = arith.constant 208 : index
    %get3A_107 = tpu.vector_load %arg14[%get3A_106] {strides = array<i32>} : memref<512xi32, #tpu.memory_space<vmem>>, vector<16xi32>,
    %add3A_108 = arith.constant 1 : i32
    %add3A_109 = vector.broadcast %add3A_108 : i32 to vector<16xi32>
    %add3A_110 = arith.addi %get3A_107, %add3A_109 : vector<16xi32>
    %swap3A_111 = arith.constant 208 : index
    %swap3A_112 = tpu.vector_load %arg14[%swap3A_111] {strides = array<i32>} : memref<512xi32, #tpu.memory_space<vmem>>, vector<16xi32>,
    tpu.vector_store %arg14[%swap3A_111], %add3A_110 {strides = array<i32>} : memref<512xi32, #tpu.memory_space<vmem>>, vector<16xi32>,
    %get3A_113 = arith.constant 224 : index
    %get3A_114 = tpu.vector_load %arg14[%get3A_113] {strides = array<i32>} : memref<512xi32, #tpu.memory_space<vmem>>, vector<16xi32>,
    %add3A_115 = arith.constant 1 : i32
    %add3A_116 = vector.broadcast %add3A_115 : i32 to vector<16xi32>
    %add3A_117 = arith.addi %get3A_114, %add3A_116 : vector<16xi32>
    %swap3A_118 = arith.constant 224 : index
    %swap3A_119 = tpu.vector_load %arg14[%swap3A_118] {strides = array<i32>} : memref<512xi32, #tpu.memory_space<vmem>>, vector<16xi32>,
    tpu.vector_store %arg14[%swap3A_118], %add3A_117 {strides = array<i32>} : memref<512xi32, #tpu.memory_space<vmem>>, vector<16xi32>,
    %get3A_120 = arith.constant 240 : index
    %get3A_121 = tpu.vector_load %arg14[%get3A_120] {strides = array<i32>} : memref<512xi32, #tpu.memory_space<vmem>>, vector<16xi32>,
    %add3A_122 = arith.constant 1 : i32
    %add3A_123 = vector.broadcast %add3A_122 : i32 to vector<16xi32>
    %add3A_124 = arith.addi %get3A_121, %add3A_123 : vector<16xi32>
    %swap3A_125 = arith.constant 240 : index
    %swap3A_126 = tpu.vector_load %arg14[%swap3A_125] {strides = array<i32>} : memref<512xi32, #tpu.memory_space<vmem>>, vector<16xi32>,
    tpu.vector_store %arg14[%swap3A_125], %add3A_124 {strides = array<i32>} : memref<512xi32, #tpu.memory_space<vmem>>, vector<16xi32>,
    %get3A_127 = arith.constant 256 : index
    %get3A_128 = tpu.vector_load %arg14[%get3A_127] {strides = array<i32>} : memref<512xi32, #tpu.memory_space<vmem>>, vector<16xi32>,
    %add3A_129 = arith.constant 1 : i32
    %add3A_130 = vector.broadcast %add3A_129 : i32 to vector<16xi32>
    %add3A_131 = arith.addi %get3A_128, %add3A_130 : vector<16xi32>
    %swap3A_132 = arith.constant 256 : index
    %swap3A_133 = tpu.vector_load %arg14[%swap3A_132] {strides = array<i32>} : memref<512xi32, #tpu.memory_space<vmem>>, vector<16xi32>,
    tpu.vector_store %arg14[%swap3A_132], %add3A_131 {strides = array<i32>} : memref<512xi32, #tpu.memory_space<vmem>>, vector<16xi32>,
    %get3A_134 = arith.constant 272 : index
    %get3A_135 = tpu.vector_load %arg14[%get3A_134] {strides = array<i32>} : memref<512xi32, #tpu.memory_space<vmem>>, vector<16xi32>,
    %add3A_136 = arith.constant 1 : i32
    %add3A_137 = vector.broadcast %add3A_136 : i32 to vector<16xi32>
    %add3A_138 = arith.addi %get3A_135, %add3A_137 : vector<16xi32>
    %swap3A_139 = arith.constant 272 : index
    %swap3A_140 = tpu.vector_load %arg14[%swap3A_139] {strides = array<i32>} : memref<512xi32, #tpu.memory_space<vmem>>, vector<16xi32>,
    tpu.vector_store %arg14[%swap3A_139], %add3A_138 {strides = array<i32>} : memref<512xi32, #tpu.memory_space<vmem>>, vector<16xi32>,
    %get3A_141 = arith.constant 288 : index
    %get3A_142 = tpu.vector_load %arg14[%get3A_141] {strides = array<i32>} : memref<512xi32, #tpu.memory_space<vmem>>, vector<16xi32>,
    %add3A_143 = arith.constant 1 : i32
    %add3A_144 = vector.broadcast %add3A_143 : i32 to vector<16xi32>
    %add3A_145 = arith.addi %get3A_142, %add3A_144 : vector<16xi32>
    %swap3A_146 = arith.constant 288 : index
    %swap3A_147 = tpu.vector_load %arg14[%swap3A_146] {strides = array<i32>} : memref<512xi32, #tpu.memory_space<vmem>>, vector<16xi32>,
    tpu.vector_store %arg14[%swap3A_146], %add3A_145 {strides = array<i32>} : memref<512xi32, #tpu.memory_space<vmem>>, vector<16xi32>,
    %get3A_148 = arith.constant 304 : index
    %get3A_149 = tpu.vector_load %arg14[%get3A_148] {strides = array<i32>} : memref<512xi32, #tpu.memory_space<vmem>>, vector<16xi32>,
    %add3A_150 = arith.constant 1 : i32
    %add3A_151 = vector.broadcast %add3A_150 : i32 to vector<16xi32>
    %add3A_152 = arith.addi %get3A_149, %add3A_151 : vector<16xi32>
    %swap3A_153 = arith.constant 304 : index
    %swap3A_154 = tpu.vector_load %arg14[%swap3A_153] {strides = array<i32>} : memref<512xi32, #tpu.memory_space<vmem>>, vector<16xi32>,
    tpu.vector_store %arg14[%swap3A_153], %add3A_152 {strides = array<i32>} : memref<512xi32, #tpu.memory_space<vmem>>, vector<16xi32>,
    %get3A_155 = arith.constant 320 : index
    %get3A_156 = tpu.vector_load %arg14[%get3A_155] {strides = array<i32>} : memref<512xi32, #tpu.memory_space<vmem>>, vector<16xi32>,
    %add3A_157 = arith.constant 1 : i32
    %add3A_158 = vector.broadcast %add3A_157 : i32 to vector<16xi32>
    %add3A_159 = arith.addi %get3A_156, %add3A_158 : vector<16xi32>
    %swap3A_160 = arith.constant 320 : index
    %swap3A_161 = tpu.vector_load %arg14[%swap3A_160] {strides = array<i32>} : memref<512xi32, #tpu.memory_space<vmem>>, vector<16xi32>,
    tpu.vector_store %arg14[%swap3A_160], %add3A_159 {strides = array<i32>} : memref<512xi32, #tpu.memory_space<vmem>>, vector<16xi32>,
    %get3A_162 = arith.constant 336 : index
    %get3A_163 = tpu.vector_load %arg14[%get3A_162] {strides = array<i32>} : memref<512xi32, #tpu.memory_space<vmem>>, vector<16xi32>,
    %add3A_164 = arith.constant 1 : i32
    %add3A_165 = vector.broadcast %add3A_164 : i32 to vector<16xi32>
    %add3A_166 = arith.addi %get3A_163, %add3A_165 : vector<16xi32>
    %swap3A_167 = arith.constant 336 : index
    %swap3A_168 = tpu.vector_load %arg14[%swap3A_167] {strides = array<i32>} : memref<512xi32, #tpu.memory_space<vmem>>, vector<16xi32>,
    tpu.vector_store %arg14[%swap3A_167], %add3A_166 {strides = array<i32>} : memref<512xi32, #tpu.memory_space<vmem>>, vector<16xi32>,
    %get3A_169 = arith.constant 352 : index
    %get3A_170 = tpu.vector_load %arg14[%get3A_169] {strides = array<i32>} : memref<512xi32, #tpu.memory_space<vmem>>, vector<16xi32>,
    %add3A_171 = arith.constant 1 : i32
    %add3A_172 = vector.broadcast %add3A_171 : i32 to vector<16xi32>
    %add3A_173 = arith.addi %get3A_170, %add3A_172 : vector<16xi32>
    %swap3A_174 = arith.constant 352 : index
    %swap3A_175 = tpu.vector_load %arg14[%swap3A_174] {strides = array<i32>} : memref<512xi32, #tpu.memory_space<vmem>>, vector<16xi32>,
    tpu.vector_store %arg14[%swap3A_174], %add3A_173 {strides = array<i32>} : memref<512xi32, #tpu.memory_space<vmem>>, vector<16xi32>,
    %get3A_176 = arith.constant 368 : index
    %get3A_177 = tpu.vector_load %arg14[%get3A_176] {strides = array<i32>} : memref<512xi32, #tpu.memory_space<vmem>>, vector<16xi32>,
    %add3A_178 = arith.constant 1 : i32
    %add3A_179 = vector.broadcast %add3A_178 : i32 to vector<16xi32>
    %add3A_180 = arith.addi %get3A_177, %add3A_179 : vector<16xi32>
    %swap3A_181 = arith.constant 368 : index
    %swap3A_182 = tpu.vector_load %arg14[%swap3A_181] {strides = array<i32>} : memref<512xi32, #tpu.memory_space<vmem>>, vector<16xi32>,
    tpu.vector_store %arg14[%swap3A_181], %add3A_180 {strides = array<i32>} : memref<512xi32, #tpu.memory_space<vmem>>, vector<16xi32>,
    %get3A_183 = arith.constant 384 : index
    %get3A_184 = tpu.vector_load %arg14[%get3A_183] {strides = array<i32>} : memref<512xi32, #tpu.memory_space<vmem>>, vector<16xi32>,
    %add3A_185 = arith.constant 1 : i32
    %add3A_186 = vector.broadcast %add3A_185 : i32 to vector<16xi32>
    %add3A_187 = arith.addi %get3A_184, %add3A_186 : vector<16xi32>
    %swap3A_188 = arith.constant 384 : index
    %swap3A_189 = tpu.vector_load %arg14[%swap3A_188] {strides = array<i32>} : memref<512xi32, #tpu.memory_space<vmem>>, vector<16xi32>,
    tpu.vector_store %arg14[%swap3A_188], %add3A_187 {strides = array<i32>} : memref<512xi32, #tpu.memory_space<vmem>>, vector<16xi32>,
    %get3A_190 = arith.constant 400 : index
    %get3A_191 = tpu.vector_load %arg14[%get3A_190] {strides = array<i32>} : memref<512xi32, #tpu.memory_space<vmem>>, vector<16xi32>,
    %add3A_192 = arith.constant 1 : i32
    %add3A_193 = vector.broadcast %add3A_192 : i32 to vector<16xi32>
    %add3A_194 = arith.addi %get3A_191, %add3A_193 : vector<16xi32>
    %swap3A_195 = arith.constant 400 : index
    %swap3A_196 = tpu.vector_load %arg14[%swap3A_195] {strides = array<i32>} : memref<512xi32, #tpu.memory_space<vmem>>, vector<16xi32>,
    tpu.vector_store %arg14[%swap3A_195], %add3A_194 {strides = array<i32>} : memref<512xi32, #tpu.memory_space<vmem>>, vector<16xi32>,
    %get3A_197 = arith.constant 416 : index
    %get3A_198 = tpu.vector_load %arg14[%get3A_197] {strides = array<i32>} : memref<512xi32, #tpu.memory_space<vmem>>, vector<16xi32>,
    %add3A_199 = arith.constant 1 : i32
    %add3A_200 = vector.broadcast %add3A_199 : i32 to vector<16xi32>
    %add3A_201 = arith.addi %get3A_198, %add3A_200 : vector<16xi32>
    %swap3A_202 = arith.constant 416 : index
    %swap3A_203 = tpu.vector_load %arg14[%swap3A_202] {strides = array<i32>} : memref<512xi32, #tpu.memory_space<vmem>>, vector<16xi32>,
    tpu.vector_store %arg14[%swap3A_202], %add3A_201 {strides = array<i32>} : memref<512xi32, #tpu.memory_space<vmem>>, vector<16xi32>,
    %get3A_204 = arith.constant 432 : index
    %get3A_205 = tpu.vector_load %arg14[%get3A_204] {strides = array<i32>} : memref<512xi32, #tpu.memory_space<vmem>>, vector<16xi32>,
    %add3A_206 = arith.constant 1 : i32
    %add3A_207 = vector.broadcast %add3A_206 : i32 to vector<16xi32>
    %add3A_208 = arith.addi %get3A_205, %add3A_207 : vector<16xi32>
    %swap3A_209 = arith.constant 432 : index
    %swap3A_210 = tpu.vector_load %arg14[%swap3A_209] {strides = array<i32>} : memref<512xi32, #tpu.memory_space<vmem>>, vector<16xi32>,
    tpu.vector_store %arg14[%swap3A_209], %add3A_208 {strides = array<i32>} : memref<512xi32, #tpu.memory_space<vmem>>, vector<16xi32>,
    %get3A_211 = arith.constant 448 : index
    %get3A_212 = tpu.vector_load %arg14[%get3A_211] {strides = array<i32>} : memref<512xi32, #tpu.memory_space<vmem>>, vector<16xi32>,
    %add3A_213 = arith.constant 1 : i32
    %add3A_214 = vector.broadcast %add3A_213 : i32 to vector<16xi32>
    %add3A_215 = arith.addi %get3A_212, %add3A_214 : vector<16xi32>
    %swap3A_216 = arith.constant 448 : index
    %swap3A_217 = tpu.vector_load %arg14[%swap3A_216] {strides = array<i32>} : memref<512xi32, #tpu.memory_space<vmem>>, vector<16xi32>,
    tpu.vector_store %arg14[%swap3A_216], %add3A_215 {strides = array<i32>} : memref<512xi32, #tpu.memory_space<vmem>>, vector<16xi32>,
    %get3A_218 = arith.constant 464 : index
    %get3A_219 = tpu.vector_load %arg14[%get3A_218] {strides = array<i32>} : memref<512xi32, #tpu.memory_space<vmem>>, vector<16xi32>,
    %add3A_220 = arith.constant 1 : i32
    %add3A_221 = vector.broadcast %add3A_220 : i32 to vector<16xi32>
    %add3A_222 = arith.addi %get3A_219, %add3A_221 : vector<16xi32>
    %swap3A_223 = arith.constant 464 : index
    %swap3A_224 = tpu.vector_load %arg14[%swap3A_223] {strides = array<i32>} : memref<512xi32, #tpu.memory_space<vmem>>, vector<16xi32>,
    tpu.vector_store %arg14[%swap3A_223], %add3A_222 {strides = array<i32>} : memref<512xi32, #tpu.memory_space<vmem>>, vector<16xi32>,
    %get3A_225 = arith.constant 480 : index
    %get3A_226 = tpu.vector_load %arg14[%get3A_225] {strides = array<i32>} : memref<512xi32, #tpu.memory_space<vmem>>, vector<16xi32>,
    %add3A_227 = arith.constant 1 : i32
    %add3A_228 = vector.broadcast %add3A_227 : i32 to vector<16xi32>
    %add3A_229 = arith.addi %get3A_226, %add3A_228 : vector<16xi32>
    %swap3A_230 = arith.constant 480 : index
    %swap3A_231 = tpu.vector_load %arg14[%swap3A_230] {strides = array<i32>} : memref<512xi32, #tpu.memory_space<vmem>>, vector<16xi32>,
    tpu.vector_store %arg14[%swap3A_230], %add3A_229 {strides = array<i32>} : memref<512xi32, #tpu.memory_space<vmem>>, vector<16xi32>,
    %get3A_232 = arith.constant 496 : index
    %get3A_233 = tpu.vector_load %arg14[%get3A_232] {strides = array<i32>} : memref<512xi32, #tpu.memory_space<vmem>>, vector<16xi32>,
    %add3A_234 = arith.constant 1 : i32
    %add3A_235 = vector.broadcast %add3A_234 : i32 to vector<16xi32>
    %add3A_236 = arith.addi %get3A_233, %add3A_235 : vector<16xi32>
    %swap3A_237 = arith.constant 496 : index
    %swap3A_238 = tpu.vector_load %arg14[%swap3A_237] {strides = array<i32>} : memref<512xi32, #tpu.memory_space<vmem>>, vector<16xi32>,
    tpu.vector_store %arg14[%swap3A_237], %add3A_236 {strides = array<i32>} : memref<512xi32, #tpu.memory_space<vmem>>, vector<16xi32>,
    %dma_start3A_239 = arith.constant 0 : i32
    %dma_start3A_240 = tpu.memref_slice %arg23[%dma_start3A_239] : memref<512xf32, #tpu.memory_space<vmem>> -> memref<128xf32, #tpu.memory_space<vmem>>
    %dma_start3A_241 = arith.constant 0 : i32
    %dma_start3A_242 = tpu.memref_slice %arg14[%dma_start3A_241] : memref<512xi32, #tpu.memory_space<vmem>> -> memref<128xi32, #tpu.memory_space<vmem>>
    %dma_start3A_243 = arith.constant 0 : i32
    %dma_start3A_244 = tpu.memref_slice %arg11[%dma_start3A_243] : memref<106496xf32, #tpu.memory_space<hbm>> -> memref<106496xf32, #tpu.memory_space<hbm>>
    tpu.enqueue_indirect_dma source(%dma_start3A_244 : memref<106496xf32, #tpu.memory_space<hbm>>) target(%dma_start3A_240 : memref<128xf32, #tpu.memory_space<vmem>>) offsets(%dma_start3A_242 : memref<128xi32, #tpu.memory_space<vmem>>) semaphore(%arg27 : memref<!tpu.dma_semaphore, #tpu.memory_space<semaphore_mem>>)
    %dma_start3A_245 = arith.constant 0 : i32
    %dma_start3A_246 = tpu.memref_slice %arg24[%dma_start3A_245] : memref<512xf32, #tpu.memory_space<vmem>> -> memref<128xf32, #tpu.memory_space<vmem>>
    %dma_start3A_247 = arith.constant 0 : i32
    %dma_start3A_248 = tpu.memref_slice %arg14[%dma_start3A_247] : memref<512xi32, #tpu.memory_space<vmem>> -> memref<128xi32, #tpu.memory_space<vmem>>
    %dma_start3A_249 = arith.constant 0 : i32
    %dma_start3A_250 = tpu.memref_slice %arg12[%dma_start3A_249] : memref<106496xf32, #tpu.memory_space<hbm>> -> memref<106496xf32, #tpu.memory_space<hbm>>
    tpu.enqueue_indirect_dma source(%dma_start3A_250 : memref<106496xf32, #tpu.memory_space<hbm>>) target(%dma_start3A_246 : memref<128xf32, #tpu.memory_space<vmem>>) offsets(%dma_start3A_248 : memref<128xi32, #tpu.memory_space<vmem>>) semaphore(%arg27 : memref<!tpu.dma_semaphore, #tpu.memory_space<semaphore_mem>>)
    %dma_start3A_251 = arith.constant 128 : i32
    %dma_start3A_252 = tpu.memref_slice %arg23[%dma_start3A_251] : memref<512xf32, #tpu.memory_space<vmem>> -> memref<128xf32, #tpu.memory_space<vmem>>
    %dma_start3A_253 = arith.constant 128 : i32
    %dma_start3A_254 = tpu.memref_slice %arg14[%dma_start3A_253] : memref<512xi32, #tpu.memory_space<vmem>> -> memref<128xi32, #tpu.memory_space<vmem>>
    %dma_start3A_255 = arith.constant 0 : i32
    %dma_start3A_256 = tpu.memref_slice %arg11[%dma_start3A_255] : memref<106496xf32, #tpu.memory_space<hbm>> -> memref<106496xf32, #tpu.memory_space<hbm>>
    tpu.enqueue_indirect_dma source(%dma_start3A_256 : memref<106496xf32, #tpu.memory_space<hbm>>) target(%dma_start3A_252 : memref<128xf32, #tpu.memory_space<vmem>>) offsets(%dma_start3A_254 : memref<128xi32, #tpu.memory_space<vmem>>) semaphore(%arg27 : memref<!tpu.dma_semaphore, #tpu.memory_space<semaphore_mem>>)
    %dma_start3A_257 = arith.constant 128 : i32
    %dma_start3A_258 = tpu.memref_slice %arg24[%dma_start3A_257] : memref<512xf32, #tpu.memory_space<vmem>> -> memref<128xf32, #tpu.memory_space<vmem>>
    %dma_start3A_259 = arith.constant 128 : i32
    %dma_start3A_260 = tpu.memref_slice %arg14[%dma_start3A_259] : memref<512xi32, #tpu.memory_space<vmem>> -> memref<128xi32, #tpu.memory_space<vmem>>
    %dma_start3A_261 = arith.constant 0 : i32
    %dma_start3A_262 = tpu.memref_slice %arg12[%dma_start3A_261] : memref<106496xf32, #tpu.memory_space<hbm>> -> memref<106496xf32, #tpu.memory_space<hbm>>
    tpu.enqueue_indirect_dma source(%dma_start3A_262 : memref<106496xf32, #tpu.memory_space<hbm>>) target(%dma_start3A_258 : memref<128xf32, #tpu.memory_space<vmem>>) offsets(%dma_start3A_260 : memref<128xi32, #tpu.memory_space<vmem>>) semaphore(%arg27 : memref<!tpu.dma_semaphore, #tpu.memory_space<semaphore_mem>>)
    %dma_start3A_263 = arith.constant 256 : i32
    %dma_start3A_264 = tpu.memref_slice %arg23[%dma_start3A_263] : memref<512xf32, #tpu.memory_space<vmem>> -> memref<128xf32, #tpu.memory_space<vmem>>
    %dma_start3A_265 = arith.constant 256 : i32
    %dma_start3A_266 = tpu.memref_slice %arg14[%dma_start3A_265] : memref<512xi32, #tpu.memory_space<vmem>> -> memref<128xi32, #tpu.memory_space<vmem>>
    %dma_start3A_267 = arith.constant 0 : i32
    %dma_start3A_268 = tpu.memref_slice %arg11[%dma_start3A_267] : memref<106496xf32, #tpu.memory_space<hbm>> -> memref<106496xf32, #tpu.memory_space<hbm>>
    tpu.enqueue_indirect_dma source(%dma_start3A_268 : memref<106496xf32, #tpu.memory_space<hbm>>) target(%dma_start3A_264 : memref<128xf32, #tpu.memory_space<vmem>>) offsets(%dma_start3A_266 : memref<128xi32, #tpu.memory_space<vmem>>) semaphore(%arg27 : memref<!tpu.dma_semaphore, #tpu.memory_space<semaphore_mem>>)
    %dma_start3A_269 = arith.constant 256 : i32
    %dma_start3A_270 = tpu.memref_slice %arg24[%dma_start3A_269] : memref<512xf32, #tpu.memory_space<vmem>> -> memref<128xf32, #tpu.memory_space<vmem>>
    %dma_start3A_271 = arith.constant 256 : i32
    %dma_start3A_272 = tpu.memref_slice %arg14[%dma_start3A_271] : memref<512xi32, #tpu.memory_space<vmem>> -> memref<128xi32, #tpu.memory_space<vmem>>
    %dma_start3A_273 = arith.constant 0 : i32
    %dma_start3A_274 = tpu.memref_slice %arg12[%dma_start3A_273] : memref<106496xf32, #tpu.memory_space<hbm>> -> memref<106496xf32, #tpu.memory_space<hbm>>
    tpu.enqueue_indirect_dma source(%dma_start3A_274 : memref<106496xf32, #tpu.memory_space<hbm>>) target(%dma_start3A_270 : memref<128xf32, #tpu.memory_space<vmem>>) offsets(%dma_start3A_272 : memref<128xi32, #tpu.memory_space<vmem>>) semaphore(%arg27 : memref<!tpu.dma_semaphore, #tpu.memory_space<semaphore_mem>>)
    %dma_start3A_275 = arith.constant 384 : i32
    %dma_start3A_276 = tpu.memref_slice %arg23[%dma_start3A_275] : memref<512xf32, #tpu.memory_space<vmem>> -> memref<128xf32, #tpu.memory_space<vmem>>
    %dma_start3A_277 = arith.constant 384 : i32
    %dma_start3A_278 = tpu.memref_slice %arg14[%dma_start3A_277] : memref<512xi32, #tpu.memory_space<vmem>> -> memref<128xi32, #tpu.memory_space<vmem>>
    %dma_start3A_279 = arith.constant 0 : i32
    %dma_start3A_280 = tpu.memref_slice %arg11[%dma_start3A_279] : memref<106496xf32, #tpu.memory_space<hbm>> -> memref<106496xf32, #tpu.memory_space<hbm>>
    tpu.enqueue_indirect_dma source(%dma_start3A_280 : memref<106496xf32, #tpu.memory_space<hbm>>) target(%dma_start3A_276 : memref<128xf32, #tpu.memory_space<vmem>>) offsets(%dma_start3A_278 : memref<128xi32, #tpu.memory_space<vmem>>) semaphore(%arg27 : memref<!tpu.dma_semaphore, #tpu.memory_space<semaphore_mem>>)
    %dma_start3A_281 = arith.constant 384 : i32
    %dma_start3A_282 = tpu.memref_slice %arg24[%dma_start3A_281] : memref<512xf32, #tpu.memory_space<vmem>> -> memref<128xf32, #tpu.memory_space<vmem>>
    %dma_start3A_283 = arith.constant 384 : i32
    %dma_start3A_284 = tpu.memref_slice %arg14[%dma_start3A_283] : memref<512xi32, #tpu.memory_space<vmem>> -> memref<128xi32, #tpu.memory_space<vmem>>
    %dma_start3A_285 = arith.constant 0 : i32
    %dma_start3A_286 = tpu.memref_slice %arg12[%dma_start3A_285] : memref<106496xf32, #tpu.memory_space<hbm>> -> memref<106496xf32, #tpu.memory_space<hbm>>
    tpu.enqueue_indirect_dma source(%dma_start3A_286 : memref<106496xf32, #tpu.memory_space<hbm>>) target(%dma_start3A_282 : memref<128xf32, #tpu.memory_space<vmem>>) offsets(%dma_start3A_284 : memref<128xi32, #tpu.memory_space<vmem>>) semaphore(%arg27 : memref<!tpu.dma_semaphore, #tpu.memory_space<semaphore_mem>>)
    %dma_wait3A_287 = tpu.memref_slice %arg5[%mul3A_2] : memref<16384xi32, #tpu.memory_space<hbm>> -> memref<512xi32, #tpu.memory_space<hbm>>
    %dma_wait3A_288 = tpu.memref_slice %arg5[%mul3A_2] : memref<16384xi32, #tpu.memory_space<hbm>> -> memref<512xi32, #tpu.memory_space<hbm>>
    tpu.wait_dma2 semaphore(%arg28 : memref<!tpu.dma_semaphore, #tpu.memory_space<semaphore_mem>>) src(%dma_wait3A_288 : memref<512xi32, #tpu.memory_space<hbm>>) dst(%arg15 : memref<512xi32, #tpu.memory_space<vmem>>)
    %dma_wait3A_289 = tpu.memref_slice %arg6[%mul3A_2] : memref<16384xi32, #tpu.memory_space<hbm>> -> memref<512xi32, #tpu.memory_space<hbm>>
    %dma_wait3A_290 = tpu.memref_slice %arg6[%mul3A_2] : memref<16384xi32, #tpu.memory_space<hbm>> -> memref<512xi32, #tpu.memory_space<hbm>>
    tpu.wait_dma2 semaphore(%arg28 : memref<!tpu.dma_semaphore, #tpu.memory_space<semaphore_mem>>) src(%dma_wait3A_290 : memref<512xi32, #tpu.memory_space<hbm>>) dst(%arg16 : memref<512xi32, #tpu.memory_space<vmem>>)
    %dma_wait3A_291 = tpu.memref_slice %arg7[%mul3A_2] : memref<16384xi32, #tpu.memory_space<hbm>> -> memref<512xi32, #tpu.memory_space<hbm>>
    %dma_wait3A_292 = tpu.memref_slice %arg7[%mul3A_2] : memref<16384xi32, #tpu.memory_space<hbm>> -> memref<512xi32, #tpu.memory_space<hbm>>
    tpu.wait_dma2 semaphore(%arg28 : memref<!tpu.dma_semaphore, #tpu.memory_space<semaphore_mem>>) src(%dma_wait3A_292 : memref<512xi32, #tpu.memory_space<hbm>>) dst(%arg17 : memref<512xi32, #tpu.memory_space<vmem>>)
    %dma_wait3A_293 = tpu.memref_slice %arg8[%mul3A_2] : memref<16384xi32, #tpu.memory_space<hbm>> -> memref<512xi32, #tpu.memory_space<hbm>>
    %dma_wait3A_294 = tpu.memref_slice %arg8[%mul3A_2] : memref<16384xi32, #tpu.memory_space<hbm>> -> memref<512xi32, #tpu.memory_space<hbm>>
    tpu.wait_dma2 semaphore(%arg28 : memref<!tpu.dma_semaphore, #tpu.memory_space<semaphore_mem>>) src(%dma_wait3A_294 : memref<512xi32, #tpu.memory_space<hbm>>) dst(%arg18 : memref<512xi32, #tpu.memory_space<vmem>>)
    %dma_wait3A_295 = tpu.memref_slice %arg2[%mul3A_2] : memref<16384xf32, #tpu.memory_space<hbm>> -> memref<512xf32, #tpu.memory_space<hbm>>
    %dma_wait3A_296 = tpu.memref_slice %arg2[%mul3A_2] : memref<16384xf32, #tpu.memory_space<hbm>> -> memref<512xf32, #tpu.memory_space<hbm>>
    tpu.wait_dma2 semaphore(%arg28 : memref<!tpu.dma_semaphore, #tpu.memory_space<semaphore_mem>>) src(%dma_wait3A_296 : memref<512xf32, #tpu.memory_space<hbm>>) dst(%arg19 : memref<512xf32, #tpu.memory_space<vmem>>)
    %dma_wait3A_297 = tpu.memref_slice %arg3[%mul3A_2] : memref<16384xf32, #tpu.memory_space<hbm>> -> memref<512xf32, #tpu.memory_space<hbm>>
    %dma_wait3A_298 = tpu.memref_slice %arg3[%mul3A_2] : memref<16384xf32, #tpu.memory_space<hbm>> -> memref<512xf32, #tpu.memory_space<hbm>>
    tpu.wait_dma2 semaphore(%arg28 : memref<!tpu.dma_semaphore, #tpu.memory_space<semaphore_mem>>) src(%dma_wait3A_298 : memref<512xf32, #tpu.memory_space<hbm>>) dst(%arg20 : memref<512xf32, #tpu.memory_space<vmem>>)
    tpu.wait_dma2 semaphore(%arg28 : memref<!tpu.dma_semaphore, #tpu.memory_space<semaphore_mem>>) src(%arg9 : memref<1136xf32, #tpu.memory_space<hbm>>) dst(%arg21 : memref<1136xf32, #tpu.memory_space<vmem>>)
    tpu.wait_dma2 semaphore(%arg28 : memref<!tpu.dma_semaphore, #tpu.memory_space<semaphore_mem>>) src(%arg10 : memref<1136xf32, #tpu.memory_space<hbm>>) dst(%arg22 : memref<1136xf32, #tpu.memory_space<vmem>>)
    %dma_wait3A_299 = arith.constant 0 : i32
    %dma_wait3A_300 = tpu.memref_slice %arg23[%dma_wait3A_299] : memref<512xf32, #tpu.memory_space<vmem>> -> memref<128xf32, #tpu.memory_space<vmem>>
    %dma_wait3A_301 = arith.constant 0 : i32
    %dma_wait3A_302 = tpu.memref_slice %arg14[%dma_wait3A_301] : memref<512xi32, #tpu.memory_space<vmem>> -> memref<128xi32, #tpu.memory_space<vmem>>
    %dma_wait3A_303 = arith.constant 0 : i32
    %dma_wait3A_304 = tpu.memref_slice %arg11[%dma_wait3A_303] : memref<106496xf32, #tpu.memory_space<hbm>> -> memref<106496xf32, #tpu.memory_space<hbm>>
    tpu.wait_indirect_dma semaphore(%arg27 : memref<!tpu.dma_semaphore, #tpu.memory_space<semaphore_mem>>) src(%dma_wait3A_304 : memref<106496xf32, #tpu.memory_space<hbm>>) dst(%dma_wait3A_300 : memref<128xf32, #tpu.memory_space<vmem>>)
    %dma_wait3A_305 = arith.constant 0 : i32
    %dma_wait3A_306 = tpu.memref_slice %arg24[%dma_wait3A_305] : memref<512xf32, #tpu.memory_space<vmem>> -> memref<128xf32, #tpu.memory_space<vmem>>
    %dma_wait3A_307 = arith.constant 0 : i32
    %dma_wait3A_308 = tpu.memref_slice %arg14[%dma_wait3A_307] : memref<512xi32, #tpu.memory_space<vmem>> -> memref<128xi32, #tpu.memory_space<vmem>>
    %dma_wait3A_309 = arith.constant 0 : i32
    %dma_wait3A_310 = tpu.memref_slice %arg12[%dma_wait3A_309] : memref<106496xf32, #tpu.memory_space<hbm>> -> memref<106496xf32, #tpu.memory_space<hbm>>
    tpu.wait_indirect_dma semaphore(%arg27 : memref<!tpu.dma_semaphore, #tpu.memory_space<semaphore_mem>>) src(%dma_wait3A_310 : memref<106496xf32, #tpu.memory_space<hbm>>) dst(%dma_wait3A_306 : memref<128xf32, #tpu.memory_space<vmem>>)
    %dma_wait3A_311 = arith.constant 128 : i32
    %dma_wait3A_312 = tpu.memref_slice %arg23[%dma_wait3A_311] : memref<512xf32, #tpu.memory_space<vmem>> -> memref<128xf32, #tpu.memory_space<vmem>>
    %dma_wait3A_313 = arith.constant 128 : i32
    %dma_wait3A_314 = tpu.memref_slice %arg14[%dma_wait3A_313] : memref<512xi32, #tpu.memory_space<vmem>> -> memref<128xi32, #tpu.memory_space<vmem>>
    %dma_wait3A_315 = arith.constant 0 : i32
    %dma_wait3A_316 = tpu.memref_slice %arg11[%dma_wait3A_315] : memref<106496xf32, #tpu.memory_space<hbm>> -> memref<106496xf32, #tpu.memory_space<hbm>>
    tpu.wait_indirect_dma semaphore(%arg27 : memref<!tpu.dma_semaphore, #tpu.memory_space<semaphore_mem>>) src(%dma_wait3A_316 : memref<106496xf32, #tpu.memory_space<hbm>>) dst(%dma_wait3A_312 : memref<128xf32, #tpu.memory_space<vmem>>)
    %dma_wait3A_317 = arith.constant 128 : i32
    %dma_wait3A_318 = tpu.memref_slice %arg24[%dma_wait3A_317] : memref<512xf32, #tpu.memory_space<vmem>> -> memref<128xf32, #tpu.memory_space<vmem>>
    %dma_wait3A_319 = arith.constant 128 : i32
    %dma_wait3A_320 = tpu.memref_slice %arg14[%dma_wait3A_319] : memref<512xi32, #tpu.memory_space<vmem>> -> memref<128xi32, #tpu.memory_space<vmem>>
    %dma_wait3A_321 = arith.constant 0 : i32
    %dma_wait3A_322 = tpu.memref_slice %arg12[%dma_wait3A_321] : memref<106496xf32, #tpu.memory_space<hbm>> -> memref<106496xf32, #tpu.memory_space<hbm>>
    tpu.wait_indirect_dma semaphore(%arg27 : memref<!tpu.dma_semaphore, #tpu.memory_space<semaphore_mem>>) src(%dma_wait3A_322 : memref<106496xf32, #tpu.memory_space<hbm>>) dst(%dma_wait3A_318 : memref<128xf32, #tpu.memory_space<vmem>>)
    %dma_wait3A_323 = arith.constant 256 : i32
    %dma_wait3A_324 = tpu.memref_slice %arg23[%dma_wait3A_323] : memref<512xf32, #tpu.memory_space<vmem>> -> memref<128xf32, #tpu.memory_space<vmem>>
    %dma_wait3A_325 = arith.constant 256 : i32
    %dma_wait3A_326 = tpu.memref_slice %arg14[%dma_wait3A_325] : memref<512xi32, #tpu.memory_space<vmem>> -> memref<128xi32, #tpu.memory_space<vmem>>
    %dma_wait3A_327 = arith.constant 0 : i32
    %dma_wait3A_328 = tpu.memref_slice %arg11[%dma_wait3A_327] : memref<106496xf32, #tpu.memory_space<hbm>> -> memref<106496xf32, #tpu.memory_space<hbm>>
    tpu.wait_indirect_dma semaphore(%arg27 : memref<!tpu.dma_semaphore, #tpu.memory_space<semaphore_mem>>) src(%dma_wait3A_328 : memref<106496xf32, #tpu.memory_space<hbm>>) dst(%dma_wait3A_324 : memref<128xf32, #tpu.memory_space<vmem>>)
    %dma_wait3A_329 = arith.constant 256 : i32
    %dma_wait3A_330 = tpu.memref_slice %arg24[%dma_wait3A_329] : memref<512xf32, #tpu.memory_space<vmem>> -> memref<128xf32, #tpu.memory_space<vmem>>
    %dma_wait3A_331 = arith.constant 256 : i32
    %dma_wait3A_332 = tpu.memref_slice %arg14[%dma_wait3A_331] : memref<512xi32, #tpu.memory_space<vmem>> -> memref<128xi32, #tpu.memory_space<vmem>>
    %dma_wait3A_333 = arith.constant 0 : i32
    %dma_wait3A_334 = tpu.memref_slice %arg12[%dma_wait3A_333] : memref<106496xf32, #tpu.memory_space<hbm>> -> memref<106496xf32, #tpu.memory_space<hbm>>
    tpu.wait_indirect_dma semaphore(%arg27 : memref<!tpu.dma_semaphore, #tpu.memory_space<semaphore_mem>>) src(%dma_wait3A_334 : memref<106496xf32, #tpu.memory_space<hbm>>) dst(%dma_wait3A_330 : memref<128xf32, #tpu.memory_space<vmem>>)
    %dma_wait3A_335 = arith.constant 384 : i32
    %dma_wait3A_336 = tpu.memref_slice %arg23[%dma_wait3A_335] : memref<512xf32, #tpu.memory_space<vmem>> -> memref<128xf32, #tpu.memory_space<vmem>>
    %dma_wait3A_337 = arith.constant 384 : i32
    %dma_wait3A_338 = tpu.memref_slice %arg14[%dma_wait3A_337] : memref<512xi32, #tpu.memory_space<vmem>> -> memref<128xi32, #tpu.memory_space<vmem>>
    %dma_wait3A_339 = arith.constant 0 : i32
    %dma_wait3A_340 = tpu.memref_slice %arg11[%dma_wait3A_339] : memref<106496xf32, #tpu.memory_space<hbm>> -> memref<106496xf32, #tpu.memory_space<hbm>>
    tpu.wait_indirect_dma semaphore(%arg27 : memref<!tpu.dma_semaphore, #tpu.memory_space<semaphore_mem>>) src(%dma_wait3A_340 : memref<106496xf32, #tpu.memory_space<hbm>>) dst(%dma_wait3A_336 : memref<128xf32, #tpu.memory_space<vmem>>)
    %dma_wait3A_341 = arith.constant 384 : i32
    %dma_wait3A_342 = tpu.memref_slice %arg24[%dma_wait3A_341] : memref<512xf32, #tpu.memory_space<vmem>> -> memref<128xf32, #tpu.memory_space<vmem>>
    %dma_wait3A_343 = arith.constant 384 : i32
    %dma_wait3A_344 = tpu.memref_slice %arg14[%dma_wait3A_343] : memref<512xi32, #tpu.memory_space<vmem>> -> memref<128xi32, #tpu.memory_space<vmem>>
    %dma_wait3A_345 = arith.constant 0 : i32
    %dma_wait3A_346 = tpu.memref_slice %arg12[%dma_wait3A_345] : memref<106496xf32, #tpu.memory_space<hbm>> -> memref<106496xf32, #tpu.memory_space<hbm>>
    tpu.wait_indirect_dma semaphore(%arg27 : memref<!tpu.dma_semaphore, #tpu.memory_space<semaphore_mem>>) src(%dma_wait3A_346 : memref<106496xf32, #tpu.memory_space<hbm>>) dst(%dma_wait3A_342 : memref<128xf32, #tpu.memory_space<vmem>>)
    %scan3A = arith.constant 0 : i32
    %scan3A_347 = arith.constant 0 : i32
    %scan3A_348 = arith.constant 32 : i32
    %scan3A_349 = arith.addi %scan3A_347, %scan3A_348 : i32
    %scan3A_350 = arith.constant 1 : i32
    scf.for %scan3A_624 = %scan3A_347 to %scan3A_349 step %scan3A_350  : i32 {
      %mul3A_625 = arith.constant 16 : i32
      %mul3A_626 = arith.muli %scan3A_624, %mul3A_625 : i32
      %get3A_627 = arith.index_cast %mul3A_626 : i32 to index
      %get3A_628 = tpu.vector_load %arg19[%get3A_627] {strides = array<i32>} : memref<512xf32, #tpu.memory_space<vmem>>, vector<16xf32>,
      %get3A_629 = arith.index_cast %mul3A_626 : i32 to index
      %get3A_630 = tpu.vector_load %arg23[%get3A_629] {strides = array<i32>} : memref<512xf32, #tpu.memory_space<vmem>>, vector<16xf32>,
      %add3A_631 = arith.addf %get3A_628, %get3A_630 : vector<16xf32>
      %get3A_632 = arith.index_cast %mul3A_626 : i32 to index
      %get3A_633 = tpu.vector_load %arg20[%get3A_632] {strides = array<i32>} : memref<512xf32, #tpu.memory_space<vmem>>, vector<16xf32>,
      %get3A_634 = arith.index_cast %mul3A_626 : i32 to index
      %get3A_635 = tpu.vector_load %arg24[%get3A_634] {strides = array<i32>} : memref<512xf32, #tpu.memory_space<vmem>>, vector<16xf32>,
      %add3A_636 = arith.addf %get3A_633, %get3A_635 : vector<16xf32>
      %get3A_637 = arith.index_cast %mul3A_626 : i32 to index
      %get3A_638 = tpu.vector_load %arg15[%get3A_637] {strides = array<i32>} : memref<512xi32, #tpu.memory_space<vmem>>, vector<16xi32>,
      %add3A_639 = arith.constant 1 : i32
      %add3A_640 = vector.broadcast %add3A_639 : i32 to vector<16xi32>
      %add3A_641 = arith.addi %get3A_638, %add3A_640 : vector<16xi32>
      %gather3A = tpu.vector_load_idx %arg21[%add3A_641] : memref<1136xf32, #tpu.memory_space<vmem>>[vector<16xi32>], vector<16xf32>,
      %add3A_642 = arith.addf %add3A_631, %gather3A : vector<16xf32>
      %gather3A_643 = tpu.vector_load_idx %arg22[%add3A_641] : memref<1136xf32, #tpu.memory_space<vmem>>[vector<16xi32>], vector<16xf32>,
      %add3A_644 = arith.addf %add3A_636, %gather3A_643 : vector<16xf32>
      %get3A_645 = arith.index_cast %mul3A_626 : i32 to index
      %get3A_646 = tpu.vector_load %arg16[%get3A_645] {strides = array<i32>} : memref<512xi32, #tpu.memory_space<vmem>>, vector<16xi32>,
      %add3A_647 = arith.constant 72 : i32
      %add3A_648 = vector.broadcast %add3A_647 : i32 to vector<16xi32>
      %add3A_649 = arith.addi %get3A_646, %add3A_648 : vector<16xi32>
      %gather3A_650 = tpu.vector_load_idx %arg21[%add3A_649] : memref<1136xf32, #tpu.memory_space<vmem>>[vector<16xi32>], vector<16xf32>,
      %add3A_651 = arith.addf %add3A_642, %gather3A_650 : vector<16xf32>
      %gather3A_652 = tpu.vector_load_idx %arg22[%add3A_649] : memref<1136xf32, #tpu.memory_space<vmem>>[vector<16xi32>], vector<16xf32>,
      %add3A_653 = arith.addf %add3A_644, %gather3A_652 : vector<16xf32>
      %get3A_654 = arith.index_cast %mul3A_626 : i32 to index
      %get3A_655 = tpu.vector_load %arg17[%get3A_654] {strides = array<i32>} : memref<512xi32, #tpu.memory_space<vmem>>, vector<16xi32>,
      %add3A_656 = arith.constant 1080 : i32
      %add3A_657 = vector.broadcast %add3A_656 : i32 to vector<16xi32>
      %add3A_658 = arith.addi %get3A_655, %add3A_657 : vector<16xi32>
      %gather3A_659 = tpu.vector_load_idx %arg21[%add3A_658] : memref<1136xf32, #tpu.memory_space<vmem>>[vector<16xi32>], vector<16xf32>,
      %add3A_660 = arith.addf %add3A_651, %gather3A_659 : vector<16xf32>
      %gather3A_661 = tpu.vector_load_idx %arg22[%add3A_658] : memref<1136xf32, #tpu.memory_space<vmem>>[vector<16xi32>], vector<16xf32>,
      %add3A_662 = arith.addf %add3A_653, %gather3A_661 : vector<16xf32>
      %get3A_663 = arith.index_cast %mul3A_626 : i32 to index
      %get3A_664 = tpu.vector_load %arg18[%get3A_663] {strides = array<i32>} : memref<512xi32, #tpu.memory_space<vmem>>, vector<16xi32>,
      %add3A_665 = arith.constant 1128 : i32
      %add3A_666 = vector.broadcast %add3A_665 : i32 to vector<16xi32>
      %add3A_667 = arith.addi %get3A_664, %add3A_666 : vector<16xi32>
      %gather3A_668 = tpu.vector_load_idx %arg21[%add3A_667] : memref<1136xf32, #tpu.memory_space<vmem>>[vector<16xi32>], vector<16xf32>,
      %add3A_669 = arith.addf %add3A_660, %gather3A_668 : vector<16xf32>
      %gather3A_670 = tpu.vector_load_idx %arg22[%add3A_667] : memref<1136xf32, #tpu.memory_space<vmem>>[vector<16xi32>], vector<16xf32>,
      %add3A_671 = arith.addf %add3A_662, %gather3A_670 : vector<16xf32>
      %swap3A_672 = arith.index_cast %mul3A_626 : i32 to index
      %swap3A_673 = tpu.vector_load %arg25[%swap3A_672] {strides = array<i32>} : memref<512xf32, #tpu.memory_space<vmem>>, vector<16xf32>,
      tpu.vector_store %arg25[%swap3A_672], %add3A_669 {strides = array<i32>} : memref<512xf32, #tpu.memory_space<vmem>>, vector<16xf32>,
      %swap3A_674 = arith.index_cast %mul3A_626 : i32 to index
      %swap3A_675 = tpu.vector_load %arg26[%swap3A_674] {strides = array<i32>} : memref<512xf32, #tpu.memory_space<vmem>>, vector<16xf32>,
      tpu.vector_store %arg26[%swap3A_674], %add3A_671 {strides = array<i32>} : memref<512xf32, #tpu.memory_space<vmem>>, vector<16xf32>,
    }
    %scan3A_351 = arith.constant 32 : i32
    %jit3A = arith.constant 128 : i32
    %div3A = arith.divsi %mul3A_2, %jit3A : i32
    %sign3A = arith.constant 0 : i32
    %sign3A_352 = arith.cmpi sgt, %mul3A_2, %sign3A : i32
    %sign3A_353 = arith.extui %sign3A_352 : i1 to i32
    %sign3A_354 = arith.constant 0 : i32
    %sign3A_355 = arith.cmpi slt, %mul3A_2, %sign3A_354 : i32
    %sign3A_356 = arith.extui %sign3A_355 : i1 to i32
    %sign3A_357 = arith.subi %sign3A_353, %sign3A_356 : i32
    %sign3A_358 = arith.constant 0 : i32
    %sign3A_359 = arith.cmpi sgt, %jit3A, %sign3A_358 : i32
    %sign3A_360 = arith.extui %sign3A_359 : i1 to i32
    %sign3A_361 = arith.constant 0 : i32
    %sign3A_362 = arith.cmpi slt, %jit3A, %sign3A_361 : i32
    %sign3A_363 = arith.extui %sign3A_362 : i1 to i32
    %sign3A_364 = arith.subi %sign3A_360, %sign3A_363 : i32
    %ne3A = arith.cmpi ne, %sign3A_357, %sign3A_364 : i32
    %rem3A = arith.remsi %mul3A_2, %jit3A : i32
    %ne3A_365 = arith.constant 0 : i32
    %ne3A_366 = arith.cmpi ne, %rem3A, %ne3A_365 : i32
    %and3A = arith.andi %ne3A, %ne3A_366 : i1
    %sub3A = arith.constant 1 : i32
    %sub3A_367 = arith.subi %div3A, %sub3A : i32
    %select_n3A = arith.select %and3A, %sub3A_367, %div3A : i32
    %add3A_368 = arith.constant 0 : i32
    %add3A_369 = arith.addi %select_n3A, %add3A_368 : i32
    %dma_start3A_370 = arith.constant 0 : i32
    %dma_start3A_371 = arith.constant 0 : i32
    %dma_start3A_372 = tpu.memref_slice %arg25[%dma_start3A_371] : memref<512xf32, #tpu.memory_space<vmem>> -> memref<128xf32, #tpu.memory_space<vmem>>
    %dma_start3A_373 = arith.constant 0 : i32
    %dma_start3A_374 = tpu.memref_slice %arg13[%add3A_369, %dma_start3A_370, %dma_start3A_373] : memref<128x2x128xf32, #tpu.memory_space<hbm>> -> memref<1x1x128xf32, #tpu.memory_space<hbm>>
    %dma_start3A_375 = tpu.memref_squeeze %dma_start3A_374 : memref<1x1x128xf32, #tpu.memory_space<hbm>> -> memref<128xf32, #tpu.memory_space<hbm>>
    %dma_start3A_376 = arith.constant 0 : i32
    %dma_start3A_377 = tpu.memref_slice %arg13[%add3A_369, %dma_start3A_370, %dma_start3A_376] : memref<128x2x128xf32, #tpu.memory_space<hbm>> -> memref<1x1x128xf32, #tpu.memory_space<hbm>>
    %dma_start3A_378 = tpu.memref_squeeze %dma_start3A_377 : memref<1x1x128xf32, #tpu.memory_space<hbm>> -> memref<128xf32, #tpu.memory_space<hbm>>
    %dma_start3A_379 = arith.constant 0 : i32
    %dma_start3A_380 = tpu.memref_slice %arg25[%dma_start3A_379] : memref<512xf32, #tpu.memory_space<vmem>> -> memref<128xf32, #tpu.memory_space<vmem>>
    tpu.enqueue_dma source(%dma_start3A_380 : memref<128xf32, #tpu.memory_space<vmem>>) target(%dma_start3A_378 : memref<128xf32, #tpu.memory_space<hbm>>) target_semaphore(%arg27 : memref<!tpu.dma_semaphore, #tpu.memory_space<semaphore_mem>>)
    %dma_start3A_381 = arith.constant 1 : i32
    %dma_start3A_382 = arith.constant 0 : i32
    %dma_start3A_383 = tpu.memref_slice %arg26[%dma_start3A_382] : memref<512xf32, #tpu.memory_space<vmem>> -> memref<128xf32, #tpu.memory_space<vmem>>
    %dma_start3A_384 = arith.constant 0 : i32
    %dma_start3A_385 = tpu.memref_slice %arg13[%add3A_369, %dma_start3A_381, %dma_start3A_384] : memref<128x2x128xf32, #tpu.memory_space<hbm>> -> memref<1x1x128xf32, #tpu.memory_space<hbm>>
    %dma_start3A_386 = tpu.memref_squeeze %dma_start3A_385 : memref<1x1x128xf32, #tpu.memory_space<hbm>> -> memref<128xf32, #tpu.memory_space<hbm>>
    %dma_start3A_387 = arith.constant 0 : i32
    %dma_start3A_388 = tpu.memref_slice %arg13[%add3A_369, %dma_start3A_381, %dma_start3A_387] : memref<128x2x128xf32, #tpu.memory_space<hbm>> -> memref<1x1x128xf32, #tpu.memory_space<hbm>>
    %dma_start3A_389 = tpu.memref_squeeze %dma_start3A_388 : memref<1x1x128xf32, #tpu.memory_space<hbm>> -> memref<128xf32, #tpu.memory_space<hbm>>
    %dma_start3A_390 = arith.constant 0 : i32
    %dma_start3A_391 = tpu.memref_slice %arg26[%dma_start3A_390] : memref<512xf32, #tpu.memory_space<vmem>> -> memref<128xf32, #tpu.memory_space<vmem>>
    tpu.enqueue_dma source(%dma_start3A_391 : memref<128xf32, #tpu.memory_space<vmem>>) target(%dma_start3A_389 : memref<128xf32, #tpu.memory_space<hbm>>) target_semaphore(%arg27 : memref<!tpu.dma_semaphore, #tpu.memory_space<semaphore_mem>>)
    %jit3A_392 = arith.constant 128 : i32
    %div3A_393 = arith.divsi %mul3A_2, %jit3A_392 : i32
    %sign3A_394 = arith.constant 0 : i32
    %sign3A_395 = arith.cmpi sgt, %mul3A_2, %sign3A_394 : i32
    %sign3A_396 = arith.extui %sign3A_395 : i1 to i32
    %sign3A_397 = arith.constant 0 : i32
    %sign3A_398 = arith.cmpi slt, %mul3A_2, %sign3A_397 : i32
    %sign3A_399 = arith.extui %sign3A_398 : i1 to i32
    %sign3A_400 = arith.subi %sign3A_396, %sign3A_399 : i32
    %sign3A_401 = arith.constant 0 : i32
    %sign3A_402 = arith.cmpi sgt, %jit3A_392, %sign3A_401 : i32
    %sign3A_403 = arith.extui %sign3A_402 : i1 to i32
    %sign3A_404 = arith.constant 0 : i32
    %sign3A_405 = arith.cmpi slt, %jit3A_392, %sign3A_404 : i32
    %sign3A_406 = arith.extui %sign3A_405 : i1 to i32
    %sign3A_407 = arith.subi %sign3A_403, %sign3A_406 : i32
    %ne3A_408 = arith.cmpi ne, %sign3A_400, %sign3A_407 : i32
    %rem3A_409 = arith.remsi %mul3A_2, %jit3A_392 : i32
    %ne3A_410 = arith.constant 0 : i32
    %ne3A_411 = arith.cmpi ne, %rem3A_409, %ne3A_410 : i32
    %and3A_412 = arith.andi %ne3A_408, %ne3A_411 : i1
    %sub3A_413 = arith.constant 1 : i32
    %sub3A_414 = arith.subi %div3A_393, %sub3A_413 : i32
    %select_n3A_415 = arith.select %and3A_412, %sub3A_414, %div3A_393 : i32
    %add3A_416 = arith.constant 1 : i32
    %add3A_417 = arith.addi %select_n3A_415, %add3A_416 : i32
    %dma_start3A_418 = arith.constant 0 : i32
    %dma_start3A_419 = arith.constant 128 : i32
    %dma_start3A_420 = tpu.memref_slice %arg25[%dma_start3A_419] : memref<512xf32, #tpu.memory_space<vmem>> -> memref<128xf32, #tpu.memory_space<vmem>>
    %dma_start3A_421 = arith.constant 0 : i32
    %dma_start3A_422 = tpu.memref_slice %arg13[%add3A_417, %dma_start3A_418, %dma_start3A_421] : memref<128x2x128xf32, #tpu.memory_space<hbm>> -> memref<1x1x128xf32, #tpu.memory_space<hbm>>
    %dma_start3A_423 = tpu.memref_squeeze %dma_start3A_422 : memref<1x1x128xf32, #tpu.memory_space<hbm>> -> memref<128xf32, #tpu.memory_space<hbm>>
    %dma_start3A_424 = arith.constant 0 : i32
    %dma_start3A_425 = tpu.memref_slice %arg13[%add3A_417, %dma_start3A_418, %dma_start3A_424] : memref<128x2x128xf32, #tpu.memory_space<hbm>> -> memref<1x1x128xf32, #tpu.memory_space<hbm>>
    %dma_start3A_426 = tpu.memref_squeeze %dma_start3A_425 : memref<1x1x128xf32, #tpu.memory_space<hbm>> -> memref<128xf32, #tpu.memory_space<hbm>>
    %dma_start3A_427 = arith.constant 128 : i32
    %dma_start3A_428 = tpu.memref_slice %arg25[%dma_start3A_427] : memref<512xf32, #tpu.memory_space<vmem>> -> memref<128xf32, #tpu.memory_space<vmem>>
    tpu.enqueue_dma source(%dma_start3A_428 : memref<128xf32, #tpu.memory_space<vmem>>) target(%dma_start3A_426 : memref<128xf32, #tpu.memory_space<hbm>>) target_semaphore(%arg27 : memref<!tpu.dma_semaphore, #tpu.memory_space<semaphore_mem>>)
    %dma_start3A_429 = arith.constant 1 : i32
    %dma_start3A_430 = arith.constant 128 : i32
    %dma_start3A_431 = tpu.memref_slice %arg26[%dma_start3A_430] : memref<512xf32, #tpu.memory_space<vmem>> -> memref<128xf32, #tpu.memory_space<vmem>>
    %dma_start3A_432 = arith.constant 0 : i32
    %dma_start3A_433 = tpu.memref_slice %arg13[%add3A_417, %dma_start3A_429, %dma_start3A_432] : memref<128x2x128xf32, #tpu.memory_space<hbm>> -> memref<1x1x128xf32, #tpu.memory_space<hbm>>
    %dma_start3A_434 = tpu.memref_squeeze %dma_start3A_433 : memref<1x1x128xf32, #tpu.memory_space<hbm>> -> memref<128xf32, #tpu.memory_space<hbm>>
    %dma_start3A_435 = arith.constant 0 : i32
    %dma_start3A_436 = tpu.memref_slice %arg13[%add3A_417, %dma_start3A_429, %dma_start3A_435] : memref<128x2x128xf32, #tpu.memory_space<hbm>> -> memref<1x1x128xf32, #tpu.memory_space<hbm>>
    %dma_start3A_437 = tpu.memref_squeeze %dma_start3A_436 : memref<1x1x128xf32, #tpu.memory_space<hbm>> -> memref<128xf32, #tpu.memory_space<hbm>>
    %dma_start3A_438 = arith.constant 128 : i32
    %dma_start3A_439 = tpu.memref_slice %arg26[%dma_start3A_438] : memref<512xf32, #tpu.memory_space<vmem>> -> memref<128xf32, #tpu.memory_space<vmem>>
    tpu.enqueue_dma source(%dma_start3A_439 : memref<128xf32, #tpu.memory_space<vmem>>) target(%dma_start3A_437 : memref<128xf32, #tpu.memory_space<hbm>>) target_semaphore(%arg27 : memref<!tpu.dma_semaphore, #tpu.memory_space<semaphore_mem>>)
    %jit3A_440 = arith.constant 128 : i32
    %div3A_441 = arith.divsi %mul3A_2, %jit3A_440 : i32
    %sign3A_442 = arith.constant 0 : i32
    %sign3A_443 = arith.cmpi sgt, %mul3A_2, %sign3A_442 : i32
    %sign3A_444 = arith.extui %sign3A_443 : i1 to i32
    %sign3A_445 = arith.constant 0 : i32
    %sign3A_446 = arith.cmpi slt, %mul3A_2, %sign3A_445 : i32
    %sign3A_447 = arith.extui %sign3A_446 : i1 to i32
    %sign3A_448 = arith.subi %sign3A_444, %sign3A_447 : i32
    %sign3A_449 = arith.constant 0 : i32
    %sign3A_450 = arith.cmpi sgt, %jit3A_440, %sign3A_449 : i32
    %sign3A_451 = arith.extui %sign3A_450 : i1 to i32
    %sign3A_452 = arith.constant 0 : i32
    %sign3A_453 = arith.cmpi slt, %jit3A_440, %sign3A_452 : i32
    %sign3A_454 = arith.extui %sign3A_453 : i1 to i32
    %sign3A_455 = arith.subi %sign3A_451, %sign3A_454 : i32
    %ne3A_456 = arith.cmpi ne, %sign3A_448, %sign3A_455 : i32
    %rem3A_457 = arith.remsi %mul3A_2, %jit3A_440 : i32
    %ne3A_458 = arith.constant 0 : i32
    %ne3A_459 = arith.cmpi ne, %rem3A_457, %ne3A_458 : i32
    %and3A_460 = arith.andi %ne3A_456, %ne3A_459 : i1
    %sub3A_461 = arith.constant 1 : i32
    %sub3A_462 = arith.subi %div3A_441, %sub3A_461 : i32
    %select_n3A_463 = arith.select %and3A_460, %sub3A_462, %div3A_441 : i32
    %add3A_464 = arith.constant 2 : i32
    %add3A_465 = arith.addi %select_n3A_463, %add3A_464 : i32
    %dma_start3A_466 = arith.constant 0 : i32
    %dma_start3A_467 = arith.constant 256 : i32
    %dma_start3A_468 = tpu.memref_slice %arg25[%dma_start3A_467] : memref<512xf32, #tpu.memory_space<vmem>> -> memref<128xf32, #tpu.memory_space<vmem>>
    %dma_start3A_469 = arith.constant 0 : i32
    %dma_start3A_470 = tpu.memref_slice %arg13[%add3A_465, %dma_start3A_466, %dma_start3A_469] : memref<128x2x128xf32, #tpu.memory_space<hbm>> -> memref<1x1x128xf32, #tpu.memory_space<hbm>>
    %dma_start3A_471 = tpu.memref_squeeze %dma_start3A_470 : memref<1x1x128xf32, #tpu.memory_space<hbm>> -> memref<128xf32, #tpu.memory_space<hbm>>
    %dma_start3A_472 = arith.constant 0 : i32
    %dma_start3A_473 = tpu.memref_slice %arg13[%add3A_465, %dma_start3A_466, %dma_start3A_472] : memref<128x2x128xf32, #tpu.memory_space<hbm>> -> memref<1x1x128xf32, #tpu.memory_space<hbm>>
    %dma_start3A_474 = tpu.memref_squeeze %dma_start3A_473 : memref<1x1x128xf32, #tpu.memory_space<hbm>> -> memref<128xf32, #tpu.memory_space<hbm>>
    %dma_start3A_475 = arith.constant 256 : i32
    %dma_start3A_476 = tpu.memref_slice %arg25[%dma_start3A_475] : memref<512xf32, #tpu.memory_space<vmem>> -> memref<128xf32, #tpu.memory_space<vmem>>
    tpu.enqueue_dma source(%dma_start3A_476 : memref<128xf32, #tpu.memory_space<vmem>>) target(%dma_start3A_474 : memref<128xf32, #tpu.memory_space<hbm>>) target_semaphore(%arg27 : memref<!tpu.dma_semaphore, #tpu.memory_space<semaphore_mem>>)
    %dma_start3A_477 = arith.constant 1 : i32
    %dma_start3A_478 = arith.constant 256 : i32
    %dma_start3A_479 = tpu.memref_slice %arg26[%dma_start3A_478] : memref<512xf32, #tpu.memory_space<vmem>> -> memref<128xf32, #tpu.memory_space<vmem>>
    %dma_start3A_480 = arith.constant 0 : i32
    %dma_start3A_481 = tpu.memref_slice %arg13[%add3A_465, %dma_start3A_477, %dma_start3A_480] : memref<128x2x128xf32, #tpu.memory_space<hbm>> -> memref<1x1x128xf32, #tpu.memory_space<hbm>>
    %dma_start3A_482 = tpu.memref_squeeze %dma_start3A_481 : memref<1x1x128xf32, #tpu.memory_space<hbm>> -> memref<128xf32, #tpu.memory_space<hbm>>
    %dma_start3A_483 = arith.constant 0 : i32
    %dma_start3A_484 = tpu.memref_slice %arg13[%add3A_465, %dma_start3A_477, %dma_start3A_483] : memref<128x2x128xf32, #tpu.memory_space<hbm>> -> memref<1x1x128xf32, #tpu.memory_space<hbm>>
    %dma_start3A_485 = tpu.memref_squeeze %dma_start3A_484 : memref<1x1x128xf32, #tpu.memory_space<hbm>> -> memref<128xf32, #tpu.memory_space<hbm>>
    %dma_start3A_486 = arith.constant 256 : i32
    %dma_start3A_487 = tpu.memref_slice %arg26[%dma_start3A_486] : memref<512xf32, #tpu.memory_space<vmem>> -> memref<128xf32, #tpu.memory_space<vmem>>
    tpu.enqueue_dma source(%dma_start3A_487 : memref<128xf32, #tpu.memory_space<vmem>>) target(%dma_start3A_485 : memref<128xf32, #tpu.memory_space<hbm>>) target_semaphore(%arg27 : memref<!tpu.dma_semaphore, #tpu.memory_space<semaphore_mem>>)
    %jit3A_488 = arith.constant 128 : i32
    %div3A_489 = arith.divsi %mul3A_2, %jit3A_488 : i32
    %sign3A_490 = arith.constant 0 : i32
    %sign3A_491 = arith.cmpi sgt, %mul3A_2, %sign3A_490 : i32
    %sign3A_492 = arith.extui %sign3A_491 : i1 to i32
    %sign3A_493 = arith.constant 0 : i32
    %sign3A_494 = arith.cmpi slt, %mul3A_2, %sign3A_493 : i32
    %sign3A_495 = arith.extui %sign3A_494 : i1 to i32
    %sign3A_496 = arith.subi %sign3A_492, %sign3A_495 : i32
    %sign3A_497 = arith.constant 0 : i32
    %sign3A_498 = arith.cmpi sgt, %jit3A_488, %sign3A_497 : i32
    %sign3A_499 = arith.extui %sign3A_498 : i1 to i32
    %sign3A_500 = arith.constant 0 : i32
    %sign3A_501 = arith.cmpi slt, %jit3A_488, %sign3A_500 : i32
    %sign3A_502 = arith.extui %sign3A_501 : i1 to i32
    %sign3A_503 = arith.subi %sign3A_499, %sign3A_502 : i32
    %ne3A_504 = arith.cmpi ne, %sign3A_496, %sign3A_503 : i32
    %rem3A_505 = arith.remsi %mul3A_2, %jit3A_488 : i32
    %ne3A_506 = arith.constant 0 : i32
    %ne3A_507 = arith.cmpi ne, %rem3A_505, %ne3A_506 : i32
    %and3A_508 = arith.andi %ne3A_504, %ne3A_507 : i1
    %sub3A_509 = arith.constant 1 : i32
    %sub3A_510 = arith.subi %div3A_489, %sub3A_509 : i32
    %select_n3A_511 = arith.select %and3A_508, %sub3A_510, %div3A_489 : i32
    %add3A_512 = arith.constant 3 : i32
    %add3A_513 = arith.addi %select_n3A_511, %add3A_512 : i32
    %dma_start3A_514 = arith.constant 0 : i32
    %dma_start3A_515 = arith.constant 384 : i32
    %dma_start3A_516 = tpu.memref_slice %arg25[%dma_start3A_515] : memref<512xf32, #tpu.memory_space<vmem>> -> memref<128xf32, #tpu.memory_space<vmem>>
    %dma_start3A_517 = arith.constant 0 : i32
    %dma_start3A_518 = tpu.memref_slice %arg13[%add3A_513, %dma_start3A_514, %dma_start3A_517] : memref<128x2x128xf32, #tpu.memory_space<hbm>> -> memref<1x1x128xf32, #tpu.memory_space<hbm>>
    %dma_start3A_519 = tpu.memref_squeeze %dma_start3A_518 : memref<1x1x128xf32, #tpu.memory_space<hbm>> -> memref<128xf32, #tpu.memory_space<hbm>>
    %dma_start3A_520 = arith.constant 0 : i32
    %dma_start3A_521 = tpu.memref_slice %arg13[%add3A_513, %dma_start3A_514, %dma_start3A_520] : memref<128x2x128xf32, #tpu.memory_space<hbm>> -> memref<1x1x128xf32, #tpu.memory_space<hbm>>
    %dma_start3A_522 = tpu.memref_squeeze %dma_start3A_521 : memref<1x1x128xf32, #tpu.memory_space<hbm>> -> memref<128xf32, #tpu.memory_space<hbm>>
    %dma_start3A_523 = arith.constant 384 : i32
    %dma_start3A_524 = tpu.memref_slice %arg25[%dma_start3A_523] : memref<512xf32, #tpu.memory_space<vmem>> -> memref<128xf32, #tpu.memory_space<vmem>>
    tpu.enqueue_dma source(%dma_start3A_524 : memref<128xf32, #tpu.memory_space<vmem>>) target(%dma_start3A_522 : memref<128xf32, #tpu.memory_space<hbm>>) target_semaphore(%arg27 : memref<!tpu.dma_semaphore, #tpu.memory_space<semaphore_mem>>)
    %dma_start3A_525 = arith.constant 1 : i32
    %dma_start3A_526 = arith.constant 384 : i32
    %dma_start3A_527 = tpu.memref_slice %arg26[%dma_start3A_526] : memref<512xf32, #tpu.memory_space<vmem>> -> memref<128xf32, #tpu.memory_space<vmem>>
    %dma_start3A_528 = arith.constant 0 : i32
    %dma_start3A_529 = tpu.memref_slice %arg13[%add3A_513, %dma_start3A_525, %dma_start3A_528] : memref<128x2x128xf32, #tpu.memory_space<hbm>> -> memref<1x1x128xf32, #tpu.memory_space<hbm>>
    %dma_start3A_530 = tpu.memref_squeeze %dma_start3A_529 : memref<1x1x128xf32, #tpu.memory_space<hbm>> -> memref<128xf32, #tpu.memory_space<hbm>>
    %dma_start3A_531 = arith.constant 0 : i32
    %dma_start3A_532 = tpu.memref_slice %arg13[%add3A_513, %dma_start3A_525, %dma_start3A_531] : memref<128x2x128xf32, #tpu.memory_space<hbm>> -> memref<1x1x128xf32, #tpu.memory_space<hbm>>
    %dma_start3A_533 = tpu.memref_squeeze %dma_start3A_532 : memref<1x1x128xf32, #tpu.memory_space<hbm>> -> memref<128xf32, #tpu.memory_space<hbm>>
    %dma_start3A_534 = arith.constant 384 : i32
    %dma_start3A_535 = tpu.memref_slice %arg26[%dma_start3A_534] : memref<512xf32, #tpu.memory_space<vmem>> -> memref<128xf32, #tpu.memory_space<vmem>>
    tpu.enqueue_dma source(%dma_start3A_535 : memref<128xf32, #tpu.memory_space<vmem>>) target(%dma_start3A_533 : memref<128xf32, #tpu.memory_space<hbm>>) target_semaphore(%arg27 : memref<!tpu.dma_semaphore, #tpu.memory_space<semaphore_mem>>)
    %dma_wait3A_536 = arith.constant 0 : i32
    %dma_wait3A_537 = arith.constant 0 : i32
    %dma_wait3A_538 = tpu.memref_slice %arg25[%dma_wait3A_537] : memref<512xf32, #tpu.memory_space<vmem>> -> memref<128xf32, #tpu.memory_space<vmem>>
    %dma_wait3A_539 = arith.constant 0 : i32
    %dma_wait3A_540 = tpu.memref_slice %arg13[%add3A_369, %dma_wait3A_536, %dma_wait3A_539] : memref<128x2x128xf32, #tpu.memory_space<hbm>> -> memref<1x1x128xf32, #tpu.memory_space<hbm>>
    %dma_wait3A_541 = tpu.memref_squeeze %dma_wait3A_540 : memref<1x1x128xf32, #tpu.memory_space<hbm>> -> memref<128xf32, #tpu.memory_space<hbm>>
    %dma_wait3A_542 = arith.constant 0 : i32
    %dma_wait3A_543 = tpu.memref_slice %arg13[%add3A_369, %dma_wait3A_536, %dma_wait3A_542] : memref<128x2x128xf32, #tpu.memory_space<hbm>> -> memref<1x1x128xf32, #tpu.memory_space<hbm>>
    %dma_wait3A_544 = tpu.memref_squeeze %dma_wait3A_543 : memref<1x1x128xf32, #tpu.memory_space<hbm>> -> memref<128xf32, #tpu.memory_space<hbm>>
    %dma_wait3A_545 = arith.constant 0 : i32
    %dma_wait3A_546 = tpu.memref_slice %arg25[%dma_wait3A_545] : memref<512xf32, #tpu.memory_space<vmem>> -> memref<128xf32, #tpu.memory_space<vmem>>
    tpu.wait_dma2 semaphore(%arg27 : memref<!tpu.dma_semaphore, #tpu.memory_space<semaphore_mem>>) src(%dma_wait3A_546 : memref<128xf32, #tpu.memory_space<vmem>>) dst(%dma_wait3A_544 : memref<128xf32, #tpu.memory_space<hbm>>)
    %dma_wait3A_547 = arith.constant 1 : i32
    %dma_wait3A_548 = arith.constant 0 : i32
    %dma_wait3A_549 = tpu.memref_slice %arg26[%dma_wait3A_548] : memref<512xf32, #tpu.memory_space<vmem>> -> memref<128xf32, #tpu.memory_space<vmem>>
    %dma_wait3A_550 = arith.constant 0 : i32
    %dma_wait3A_551 = tpu.memref_slice %arg13[%add3A_369, %dma_wait3A_547, %dma_wait3A_550] : memref<128x2x128xf32, #tpu.memory_space<hbm>> -> memref<1x1x128xf32, #tpu.memory_space<hbm>>
    %dma_wait3A_552 = tpu.memref_squeeze %dma_wait3A_551 : memref<1x1x128xf32, #tpu.memory_space<hbm>> -> memref<128xf32, #tpu.memory_space<hbm>>
    %dma_wait3A_553 = arith.constant 0 : i32
    %dma_wait3A_554 = tpu.memref_slice %arg13[%add3A_369, %dma_wait3A_547, %dma_wait3A_553] : memref<128x2x128xf32, #tpu.memory_space<hbm>> -> memref<1x1x128xf32, #tpu.memory_space<hbm>>
    %dma_wait3A_555 = tpu.memref_squeeze %dma_wait3A_554 : memref<1x1x128xf32, #tpu.memory_space<hbm>> -> memref<128xf32, #tpu.memory_space<hbm>>
    %dma_wait3A_556 = arith.constant 0 : i32
    %dma_wait3A_557 = tpu.memref_slice %arg26[%dma_wait3A_556] : memref<512xf32, #tpu.memory_space<vmem>> -> memref<128xf32, #tpu.memory_space<vmem>>
    tpu.wait_dma2 semaphore(%arg27 : memref<!tpu.dma_semaphore, #tpu.memory_space<semaphore_mem>>) src(%dma_wait3A_557 : memref<128xf32, #tpu.memory_space<vmem>>) dst(%dma_wait3A_555 : memref<128xf32, #tpu.memory_space<hbm>>)
    %dma_wait3A_558 = arith.constant 0 : i32
    %dma_wait3A_559 = arith.constant 128 : i32
    %dma_wait3A_560 = tpu.memref_slice %arg25[%dma_wait3A_559] : memref<512xf32, #tpu.memory_space<vmem>> -> memref<128xf32, #tpu.memory_space<vmem>>
    %dma_wait3A_561 = arith.constant 0 : i32
    %dma_wait3A_562 = tpu.memref_slice %arg13[%add3A_417, %dma_wait3A_558, %dma_wait3A_561] : memref<128x2x128xf32, #tpu.memory_space<hbm>> -> memref<1x1x128xf32, #tpu.memory_space<hbm>>
    %dma_wait3A_563 = tpu.memref_squeeze %dma_wait3A_562 : memref<1x1x128xf32, #tpu.memory_space<hbm>> -> memref<128xf32, #tpu.memory_space<hbm>>
    %dma_wait3A_564 = arith.constant 0 : i32
    %dma_wait3A_565 = tpu.memref_slice %arg13[%add3A_417, %dma_wait3A_558, %dma_wait3A_564] : memref<128x2x128xf32, #tpu.memory_space<hbm>> -> memref<1x1x128xf32, #tpu.memory_space<hbm>>
    %dma_wait3A_566 = tpu.memref_squeeze %dma_wait3A_565 : memref<1x1x128xf32, #tpu.memory_space<hbm>> -> memref<128xf32, #tpu.memory_space<hbm>>
    %dma_wait3A_567 = arith.constant 128 : i32
    %dma_wait3A_568 = tpu.memref_slice %arg25[%dma_wait3A_567] : memref<512xf32, #tpu.memory_space<vmem>> -> memref<128xf32, #tpu.memory_space<vmem>>
    tpu.wait_dma2 semaphore(%arg27 : memref<!tpu.dma_semaphore, #tpu.memory_space<semaphore_mem>>) src(%dma_wait3A_568 : memref<128xf32, #tpu.memory_space<vmem>>) dst(%dma_wait3A_566 : memref<128xf32, #tpu.memory_space<hbm>>)
    %dma_wait3A_569 = arith.constant 1 : i32
    %dma_wait3A_570 = arith.constant 128 : i32
    %dma_wait3A_571 = tpu.memref_slice %arg26[%dma_wait3A_570] : memref<512xf32, #tpu.memory_space<vmem>> -> memref<128xf32, #tpu.memory_space<vmem>>
    %dma_wait3A_572 = arith.constant 0 : i32
    %dma_wait3A_573 = tpu.memref_slice %arg13[%add3A_417, %dma_wait3A_569, %dma_wait3A_572] : memref<128x2x128xf32, #tpu.memory_space<hbm>> -> memref<1x1x128xf32, #tpu.memory_space<hbm>>
    %dma_wait3A_574 = tpu.memref_squeeze %dma_wait3A_573 : memref<1x1x128xf32, #tpu.memory_space<hbm>> -> memref<128xf32, #tpu.memory_space<hbm>>
    %dma_wait3A_575 = arith.constant 0 : i32
    %dma_wait3A_576 = tpu.memref_slice %arg13[%add3A_417, %dma_wait3A_569, %dma_wait3A_575] : memref<128x2x128xf32, #tpu.memory_space<hbm>> -> memref<1x1x128xf32, #tpu.memory_space<hbm>>
    %dma_wait3A_577 = tpu.memref_squeeze %dma_wait3A_576 : memref<1x1x128xf32, #tpu.memory_space<hbm>> -> memref<128xf32, #tpu.memory_space<hbm>>
    %dma_wait3A_578 = arith.constant 128 : i32
    %dma_wait3A_579 = tpu.memref_slice %arg26[%dma_wait3A_578] : memref<512xf32, #tpu.memory_space<vmem>> -> memref<128xf32, #tpu.memory_space<vmem>>
    tpu.wait_dma2 semaphore(%arg27 : memref<!tpu.dma_semaphore, #tpu.memory_space<semaphore_mem>>) src(%dma_wait3A_579 : memref<128xf32, #tpu.memory_space<vmem>>) dst(%dma_wait3A_577 : memref<128xf32, #tpu.memory_space<hbm>>)
    %dma_wait3A_580 = arith.constant 0 : i32
    %dma_wait3A_581 = arith.constant 256 : i32
    %dma_wait3A_582 = tpu.memref_slice %arg25[%dma_wait3A_581] : memref<512xf32, #tpu.memory_space<vmem>> -> memref<128xf32, #tpu.memory_space<vmem>>
    %dma_wait3A_583 = arith.constant 0 : i32
    %dma_wait3A_584 = tpu.memref_slice %arg13[%add3A_465, %dma_wait3A_580, %dma_wait3A_583] : memref<128x2x128xf32, #tpu.memory_space<hbm>> -> memref<1x1x128xf32, #tpu.memory_space<hbm>>
    %dma_wait3A_585 = tpu.memref_squeeze %dma_wait3A_584 : memref<1x1x128xf32, #tpu.memory_space<hbm>> -> memref<128xf32, #tpu.memory_space<hbm>>
    %dma_wait3A_586 = arith.constant 0 : i32
    %dma_wait3A_587 = tpu.memref_slice %arg13[%add3A_465, %dma_wait3A_580, %dma_wait3A_586] : memref<128x2x128xf32, #tpu.memory_space<hbm>> -> memref<1x1x128xf32, #tpu.memory_space<hbm>>
    %dma_wait3A_588 = tpu.memref_squeeze %dma_wait3A_587 : memref<1x1x128xf32, #tpu.memory_space<hbm>> -> memref<128xf32, #tpu.memory_space<hbm>>
    %dma_wait3A_589 = arith.constant 256 : i32
    %dma_wait3A_590 = tpu.memref_slice %arg25[%dma_wait3A_589] : memref<512xf32, #tpu.memory_space<vmem>> -> memref<128xf32, #tpu.memory_space<vmem>>
    tpu.wait_dma2 semaphore(%arg27 : memref<!tpu.dma_semaphore, #tpu.memory_space<semaphore_mem>>) src(%dma_wait3A_590 : memref<128xf32, #tpu.memory_space<vmem>>) dst(%dma_wait3A_588 : memref<128xf32, #tpu.memory_space<hbm>>)
    %dma_wait3A_591 = arith.constant 1 : i32
    %dma_wait3A_592 = arith.constant 256 : i32
    %dma_wait3A_593 = tpu.memref_slice %arg26[%dma_wait3A_592] : memref<512xf32, #tpu.memory_space<vmem>> -> memref<128xf32, #tpu.memory_space<vmem>>
    %dma_wait3A_594 = arith.constant 0 : i32
    %dma_wait3A_595 = tpu.memref_slice %arg13[%add3A_465, %dma_wait3A_591, %dma_wait3A_594] : memref<128x2x128xf32, #tpu.memory_space<hbm>> -> memref<1x1x128xf32, #tpu.memory_space<hbm>>
    %dma_wait3A_596 = tpu.memref_squeeze %dma_wait3A_595 : memref<1x1x128xf32, #tpu.memory_space<hbm>> -> memref<128xf32, #tpu.memory_space<hbm>>
    %dma_wait3A_597 = arith.constant 0 : i32
    %dma_wait3A_598 = tpu.memref_slice %arg13[%add3A_465, %dma_wait3A_591, %dma_wait3A_597] : memref<128x2x128xf32, #tpu.memory_space<hbm>> -> memref<1x1x128xf32, #tpu.memory_space<hbm>>
    %dma_wait3A_599 = tpu.memref_squeeze %dma_wait3A_598 : memref<1x1x128xf32, #tpu.memory_space<hbm>> -> memref<128xf32, #tpu.memory_space<hbm>>
    %dma_wait3A_600 = arith.constant 256 : i32
    %dma_wait3A_601 = tpu.memref_slice %arg26[%dma_wait3A_600] : memref<512xf32, #tpu.memory_space<vmem>> -> memref<128xf32, #tpu.memory_space<vmem>>
    tpu.wait_dma2 semaphore(%arg27 : memref<!tpu.dma_semaphore, #tpu.memory_space<semaphore_mem>>) src(%dma_wait3A_601 : memref<128xf32, #tpu.memory_space<vmem>>) dst(%dma_wait3A_599 : memref<128xf32, #tpu.memory_space<hbm>>)
    %dma_wait3A_602 = arith.constant 0 : i32
    %dma_wait3A_603 = arith.constant 384 : i32
    %dma_wait3A_604 = tpu.memref_slice %arg25[%dma_wait3A_603] : memref<512xf32, #tpu.memory_space<vmem>> -> memref<128xf32, #tpu.memory_space<vmem>>
    %dma_wait3A_605 = arith.constant 0 : i32
    %dma_wait3A_606 = tpu.memref_slice %arg13[%add3A_513, %dma_wait3A_602, %dma_wait3A_605] : memref<128x2x128xf32, #tpu.memory_space<hbm>> -> memref<1x1x128xf32, #tpu.memory_space<hbm>>
    %dma_wait3A_607 = tpu.memref_squeeze %dma_wait3A_606 : memref<1x1x128xf32, #tpu.memory_space<hbm>> -> memref<128xf32, #tpu.memory_space<hbm>>
    %dma_wait3A_608 = arith.constant 0 : i32
    %dma_wait3A_609 = tpu.memref_slice %arg13[%add3A_513, %dma_wait3A_602, %dma_wait3A_608] : memref<128x2x128xf32, #tpu.memory_space<hbm>> -> memref<1x1x128xf32, #tpu.memory_space<hbm>>
    %dma_wait3A_610 = tpu.memref_squeeze %dma_wait3A_609 : memref<1x1x128xf32, #tpu.memory_space<hbm>> -> memref<128xf32, #tpu.memory_space<hbm>>
    %dma_wait3A_611 = arith.constant 384 : i32
    %dma_wait3A_612 = tpu.memref_slice %arg25[%dma_wait3A_611] : memref<512xf32, #tpu.memory_space<vmem>> -> memref<128xf32, #tpu.memory_space<vmem>>
    tpu.wait_dma2 semaphore(%arg27 : memref<!tpu.dma_semaphore, #tpu.memory_space<semaphore_mem>>) src(%dma_wait3A_612 : memref<128xf32, #tpu.memory_space<vmem>>) dst(%dma_wait3A_610 : memref<128xf32, #tpu.memory_space<hbm>>)
    %dma_wait3A_613 = arith.constant 1 : i32
    %dma_wait3A_614 = arith.constant 384 : i32
    %dma_wait3A_615 = tpu.memref_slice %arg26[%dma_wait3A_614] : memref<512xf32, #tpu.memory_space<vmem>> -> memref<128xf32, #tpu.memory_space<vmem>>
    %dma_wait3A_616 = arith.constant 0 : i32
    %dma_wait3A_617 = tpu.memref_slice %arg13[%add3A_513, %dma_wait3A_613, %dma_wait3A_616] : memref<128x2x128xf32, #tpu.memory_space<hbm>> -> memref<1x1x128xf32, #tpu.memory_space<hbm>>
    %dma_wait3A_618 = tpu.memref_squeeze %dma_wait3A_617 : memref<1x1x128xf32, #tpu.memory_space<hbm>> -> memref<128xf32, #tpu.memory_space<hbm>>
    %dma_wait3A_619 = arith.constant 0 : i32
    %dma_wait3A_620 = tpu.memref_slice %arg13[%add3A_513, %dma_wait3A_613, %dma_wait3A_619] : memref<128x2x128xf32, #tpu.memory_space<hbm>> -> memref<1x1x128xf32, #tpu.memory_space<hbm>>
    %dma_wait3A_621 = tpu.memref_squeeze %dma_wait3A_620 : memref<1x1x128xf32, #tpu.memory_space<hbm>> -> memref<128xf32, #tpu.memory_space<hbm>>
    %dma_wait3A_622 = arith.constant 384 : i32
    %dma_wait3A_623 = tpu.memref_slice %arg26[%dma_wait3A_622] : memref<512xf32, #tpu.memory_space<vmem>> -> memref<128xf32, #tpu.memory_space<vmem>>
    tpu.wait_dma2 semaphore(%arg27 : memref<!tpu.dma_semaphore, #tpu.memory_space<semaphore_mem>>) src(%dma_wait3A_623 : memref<128xf32, #tpu.memory_space<vmem>>) dst(%dma_wait3A_621 : memref<128xf32, #tpu.memory_space<hbm>>)
    return
  }
}

module attributes {stable_mosaic.version = 14 : i64} {
  func.func @_tc_body(%arg0: i32, %arg1: memref<80x2048xf32, #tpu.memory_space<vmem>>, %arg2: memref<2x240xf32, #tpu.memory_space<vmem>>, %arg3: memref<1x2xf32, #tpu.memory_space<vmem>>, %arg4: memref<32x65xf32, #tpu.memory_space<vmem>>, %arg5: memref<32x1000xf32, #tpu.memory_space<vmem>>, %arg6: memref<32x48xf32, #tpu.memory_space<vmem>>, %arg7: memref<32x7xf32, #tpu.memory_space<vmem>>, %arg8: memref<32x13312xf32, #tpu.memory_space<vmem>>, %arg9: memref<2048xf32, #tpu.memory_space<vmem>>, %arg10: memref<2048xf32, #tpu.memory_space<vmem>>, %arg11: memref<1136xf32, #tpu.memory_space<vmem>>, %arg12: memref<1136xf32, #tpu.memory_space<vmem>>, %arg13: memref<13312xf32, #tpu.memory_space<vmem>>, %arg14: memref<13312xf32, #tpu.memory_space<vmem>>) attributes {dimension_semantics = [#tpu.dimension_semantics<arbitrary>], iteration_bounds = array<i64: 8>, scalar_prefetch = 0 : i64, scratch_operands = 0 : i64, tpu.core_type = #tpu.core_type<tc>, window_params = [{transform_indices = @transform_0, window_bounds = array<i64: 80, 2048>}, {pipeline_mode = #tpu.pipeline_mode<synchronous>, transform_indices = @transform_1, window_bounds = array<i64: 2, 240>}, {pipeline_mode = #tpu.pipeline_mode<synchronous>, transform_indices = @transform_2, window_bounds = array<i64: 1, 2>}, {pipeline_mode = #tpu.pipeline_mode<synchronous>, transform_indices = @transform_3, window_bounds = array<i64: 32, 65>}, {pipeline_mode = #tpu.pipeline_mode<synchronous>, transform_indices = @transform_4, window_bounds = array<i64: 32, 1000>}, {pipeline_mode = #tpu.pipeline_mode<synchronous>, transform_indices = @transform_5, window_bounds = array<i64: 32, 48>}, {pipeline_mode = #tpu.pipeline_mode<synchronous>, transform_indices = @transform_6, window_bounds = array<i64: 32, 7>}, {transform_indices = @transform_7, window_bounds = array<i64: 32, 13312>}, {transform_indices = @transform_8, window_bounds = array<i64: 2048>}, {transform_indices = @transform_9, window_bounds = array<i64: 2048>}, {pipeline_mode = #tpu.pipeline_mode<synchronous>, transform_indices = @transform_10, window_bounds = array<i64: 1136>}, {pipeline_mode = #tpu.pipeline_mode<synchronous>, transform_indices = @transform_11, window_bounds = array<i64: 1136>}, {transform_indices = @transform_12, window_bounds = array<i64: 13312>}, {transform_indices = @transform_13, window_bounds = array<i64: 13312>}]} {
    %get3A = arith.constant 0 : index
    %get3A_0 = arith.constant 0 : index
    %get3A_1 = vector.load %arg2[%get3A, %get3A_0] : memref<2x240xf32, #tpu.memory_space<vmem>>, vector<2x240xf32>
    %slice3A = vector.extract_strided_slice %get3A_1 {offsets = [0, 0], sizes = [2, 80], strides = [1, 1]} : vector<2x240xf32> to vector<2x80xf32>
    %get3A_2 = arith.constant 0 : index
    %get3A_3 = arith.constant 0 : index
    %get3A_4 = vector.load %arg1[%get3A_2, %get3A_3] : memref<80x2048xf32, #tpu.memory_space<vmem>>, vector<80x2048xf32>
    %dot_general3A = arith.constant dense<0.000000e+00> : vector<2x2048xf32>
    %dot_general3A_5 = tpu.matmul %slice3A, %get3A_4, %dot_general3A {dimension_numbers = #tpu.dot_dimension_numbers<[1], [0], [0], [1], [0, 0, 1, 1], [], []>, transpose_lhs_hint = false} : vector<2x80xf32>, vector<80x2048xf32>, vector<2x2048xf32> -> vector<2x2048xf32>
    %slice3A_6 = vector.extract_strided_slice %dot_general3A_5 {offsets = [0, 0], sizes = [1, 2048], strides = [1, 1]} : vector<2x2048xf32> to vector<1x2048xf32>
    %squeeze3A = vector.shape_cast %slice3A_6 : vector<1x2048xf32> to vector<2048xf32>
    %get3A_7 = arith.constant 0 : index
    %get3A_8 = arith.constant 0 : index
    %get3A_9 = vector.load %arg3[%get3A_7, %get3A_8] : memref<1x2xf32, #tpu.memory_space<vmem>>, vector<1x1xf32>
    %get3A_10 = vector.extract %get3A_9[0, 0] : f32 from vector<1x1xf32>
    %add3A = vector.broadcast %get3A_10 : f32 to vector<2048xf32>
    %add3A_11 = arith.addf %squeeze3A, %add3A : vector<2048xf32>
    %swap3A = arith.constant 0 : index
    %swap3A_12 = vector.load %arg9[%swap3A] : memref<2048xf32, #tpu.memory_space<vmem>>, vector<2048xf32>
    tpu.vector_store %arg9[%swap3A], %add3A_11 {strides = array<i32>} : memref<2048xf32, #tpu.memory_space<vmem>>, vector<2048xf32>,
    %slice3A_13 = vector.extract_strided_slice %dot_general3A_5 {offsets = [1, 0], sizes = [1, 2048], strides = [1, 1]} : vector<2x2048xf32> to vector<1x2048xf32>
    %squeeze3A_14 = vector.shape_cast %slice3A_13 : vector<1x2048xf32> to vector<2048xf32>
    %get3A_15 = arith.constant 0 : index
    %get3A_16 = arith.constant 1 : index
    %get3A_17 = vector.load %arg3[%get3A_15, %get3A_16] : memref<1x2xf32, #tpu.memory_space<vmem>>, vector<1x1xf32>
    %get3A_18 = vector.extract %get3A_17[0, 0] : f32 from vector<1x1xf32>
    %add3A_19 = vector.broadcast %get3A_18 : f32 to vector<2048xf32>
    %add3A_20 = arith.addf %squeeze3A_14, %add3A_19 : vector<2048xf32>
    %swap3A_21 = arith.constant 0 : index
    %swap3A_22 = vector.load %arg10[%swap3A_21] : memref<2048xf32, #tpu.memory_space<vmem>>, vector<2048xf32>
    tpu.vector_store %arg10[%swap3A_21], %add3A_20 {strides = array<i32>} : memref<2048xf32, #tpu.memory_space<vmem>>, vector<2048xf32>,
    %slice3A_23 = vector.extract_strided_slice %get3A_1 {offsets = [0, 80], sizes = [2, 32], strides = [1, 1]} : vector<2x240xf32> to vector<2x32xf32>
    %get3A_24 = arith.constant 0 : index
    %get3A_25 = arith.constant 0 : index
    %get3A_26 = vector.load %arg8[%get3A_24, %get3A_25] : memref<32x13312xf32, #tpu.memory_space<vmem>>, vector<32x13312xf32>
    %dot_general3A_27 = arith.constant dense<0.000000e+00> : vector<2x13312xf32>
    %dot_general3A_28 = tpu.matmul %slice3A_23, %get3A_26, %dot_general3A_27 {dimension_numbers = #tpu.dot_dimension_numbers<[1], [0], [0], [1], [0, 0, 1, 1], [], []>, transpose_lhs_hint = false} : vector<2x32xf32>, vector<32x13312xf32>, vector<2x13312xf32> -> vector<2x13312xf32>
    %slice3A_29 = vector.extract_strided_slice %dot_general3A_28 {offsets = [0, 0], sizes = [1, 13312], strides = [1, 1]} : vector<2x13312xf32> to vector<1x13312xf32>
    %squeeze3A_30 = vector.shape_cast %slice3A_29 : vector<1x13312xf32> to vector<13312xf32>
    %swap3A_31 = arith.constant 0 : index
    %swap3A_32 = vector.load %arg13[%swap3A_31] : memref<13312xf32, #tpu.memory_space<vmem>>, vector<13312xf32>
    tpu.vector_store %arg13[%swap3A_31], %squeeze3A_30 {strides = array<i32>} : memref<13312xf32, #tpu.memory_space<vmem>>, vector<13312xf32>,
    %slice3A_33 = vector.extract_strided_slice %dot_general3A_28 {offsets = [1, 0], sizes = [1, 13312], strides = [1, 1]} : vector<2x13312xf32> to vector<1x13312xf32>
    %squeeze3A_34 = vector.shape_cast %slice3A_33 : vector<1x13312xf32> to vector<13312xf32>
    %swap3A_35 = arith.constant 0 : index
    %swap3A_36 = vector.load %arg14[%swap3A_35] : memref<13312xf32, #tpu.memory_space<vmem>>, vector<13312xf32>
    tpu.vector_store %arg14[%swap3A_35], %squeeze3A_34 {strides = array<i32>} : memref<13312xf32, #tpu.memory_space<vmem>>, vector<13312xf32>,
    %eq3A = arith.constant 0 : i32
    %eq3A_37 = arith.cmpi eq, %arg0, %eq3A : i32
    %convert_element_type3A = arith.extui %eq3A_37 : i1 to i32
    %cond3A = arith.constant 0 : i32
    %cond3A_38 = arith.cmpi ne, %convert_element_type3A, %cond3A : i32
    scf.if %cond3A_38 {
      %slice3A_39 = vector.extract_strided_slice %get3A_1 {offsets = [0, 112], sizes = [2, 32], strides = [1, 1]} : vector<2x240xf32> to vector<2x32xf32>
      %get3A_40 = arith.constant 0 : index
      %get3A_41 = arith.constant 0 : index
      %get3A_42 = vector.load %arg4[%get3A_40, %get3A_41] : memref<32x65xf32, #tpu.memory_space<vmem>>, vector<32x65xf32>
      %dot_general3A_43 = arith.constant dense<0.000000e+00> : vector<2x65xf32>
      %dot_general3A_44 = tpu.matmul %slice3A_39, %get3A_42, %dot_general3A_43 {dimension_numbers = #tpu.dot_dimension_numbers<[1], [0], [0], [1], [0, 0, 1, 1], [], []>, transpose_lhs_hint = false} : vector<2x32xf32>, vector<32x65xf32>, vector<2x65xf32> -> vector<2x65xf32>
      %slice3A_45 = vector.extract_strided_slice %dot_general3A_44 {offsets = [0, 0], sizes = [1, 65], strides = [1, 1]} : vector<2x65xf32> to vector<1x65xf32>
      %squeeze3A_46 = vector.shape_cast %slice3A_45 : vector<1x65xf32> to vector<65xf32>
      %swap3A_47 = arith.constant 0 : index
      %swap3A_48 = vector.load %arg11[%swap3A_47] : memref<1136xf32, #tpu.memory_space<vmem>>, vector<65xf32>
      tpu.vector_store %arg11[%swap3A_47], %squeeze3A_46 {strides = array<i32>} : memref<1136xf32, #tpu.memory_space<vmem>>, vector<65xf32>,
      %slice3A_49 = vector.extract_strided_slice %dot_general3A_44 {offsets = [1, 0], sizes = [1, 65], strides = [1, 1]} : vector<2x65xf32> to vector<1x65xf32>
      %squeeze3A_50 = vector.shape_cast %slice3A_49 : vector<1x65xf32> to vector<65xf32>
      %swap3A_51 = arith.constant 0 : index
      %swap3A_52 = vector.load %arg12[%swap3A_51] : memref<1136xf32, #tpu.memory_space<vmem>>, vector<65xf32>
      tpu.vector_store %arg12[%swap3A_51], %squeeze3A_50 {strides = array<i32>} : memref<1136xf32, #tpu.memory_space<vmem>>, vector<65xf32>,
      %slice3A_53 = vector.extract_strided_slice %get3A_1 {offsets = [0, 144], sizes = [2, 32], strides = [1, 1]} : vector<2x240xf32> to vector<2x32xf32>
      %get3A_54 = arith.constant 0 : index
      %get3A_55 = arith.constant 0 : index
      %get3A_56 = vector.load %arg5[%get3A_54, %get3A_55] : memref<32x1000xf32, #tpu.memory_space<vmem>>, vector<32x1000xf32>
      %dot_general3A_57 = arith.constant dense<0.000000e+00> : vector<2x1000xf32>
      %dot_general3A_58 = tpu.matmul %slice3A_53, %get3A_56, %dot_general3A_57 {dimension_numbers = #tpu.dot_dimension_numbers<[1], [0], [0], [1], [0, 0, 1, 1], [], []>, transpose_lhs_hint = false} : vector<2x32xf32>, vector<32x1000xf32>, vector<2x1000xf32> -> vector<2x1000xf32>
      %slice3A_59 = vector.extract_strided_slice %dot_general3A_58 {offsets = [0, 0], sizes = [1, 1000], strides = [1, 1]} : vector<2x1000xf32> to vector<1x1000xf32>
      %squeeze3A_60 = vector.shape_cast %slice3A_59 : vector<1x1000xf32> to vector<1000xf32>
      %swap3A_61 = arith.constant 72 : index
      %swap3A_62 = vector.load %arg11[%swap3A_61] : memref<1136xf32, #tpu.memory_space<vmem>>, vector<1000xf32>
      tpu.vector_store %arg11[%swap3A_61], %squeeze3A_60 {strides = array<i32>} : memref<1136xf32, #tpu.memory_space<vmem>>, vector<1000xf32>,
      %slice3A_63 = vector.extract_strided_slice %dot_general3A_58 {offsets = [1, 0], sizes = [1, 1000], strides = [1, 1]} : vector<2x1000xf32> to vector<1x1000xf32>
      %squeeze3A_64 = vector.shape_cast %slice3A_63 : vector<1x1000xf32> to vector<1000xf32>
      %swap3A_65 = arith.constant 72 : index
      %swap3A_66 = vector.load %arg12[%swap3A_65] : memref<1136xf32, #tpu.memory_space<vmem>>, vector<1000xf32>
      tpu.vector_store %arg12[%swap3A_65], %squeeze3A_64 {strides = array<i32>} : memref<1136xf32, #tpu.memory_space<vmem>>, vector<1000xf32>,
      %slice3A_67 = vector.extract_strided_slice %get3A_1 {offsets = [0, 176], sizes = [2, 32], strides = [1, 1]} : vector<2x240xf32> to vector<2x32xf32>
      %get3A_68 = arith.constant 0 : index
      %get3A_69 = arith.constant 0 : index
      %get3A_70 = vector.load %arg6[%get3A_68, %get3A_69] : memref<32x48xf32, #tpu.memory_space<vmem>>, vector<32x48xf32>
      %dot_general3A_71 = arith.constant dense<0.000000e+00> : vector<2x48xf32>
      %dot_general3A_72 = tpu.matmul %slice3A_67, %get3A_70, %dot_general3A_71 {dimension_numbers = #tpu.dot_dimension_numbers<[1], [0], [0], [1], [0, 0, 1, 1], [], []>, transpose_lhs_hint = false} : vector<2x32xf32>, vector<32x48xf32>, vector<2x48xf32> -> vector<2x48xf32>
      %slice3A_73 = vector.extract_strided_slice %dot_general3A_72 {offsets = [0, 0], sizes = [1, 48], strides = [1, 1]} : vector<2x48xf32> to vector<1x48xf32>
      %squeeze3A_74 = vector.shape_cast %slice3A_73 : vector<1x48xf32> to vector<48xf32>
      %swap3A_75 = arith.constant 1080 : index
      %swap3A_76 = vector.load %arg11[%swap3A_75] : memref<1136xf32, #tpu.memory_space<vmem>>, vector<48xf32>
      tpu.vector_store %arg11[%swap3A_75], %squeeze3A_74 {strides = array<i32>} : memref<1136xf32, #tpu.memory_space<vmem>>, vector<48xf32>,
      %slice3A_77 = vector.extract_strided_slice %dot_general3A_72 {offsets = [1, 0], sizes = [1, 48], strides = [1, 1]} : vector<2x48xf32> to vector<1x48xf32>
      %squeeze3A_78 = vector.shape_cast %slice3A_77 : vector<1x48xf32> to vector<48xf32>
      %swap3A_79 = arith.constant 1080 : index
      %swap3A_80 = vector.load %arg12[%swap3A_79] : memref<1136xf32, #tpu.memory_space<vmem>>, vector<48xf32>
      tpu.vector_store %arg12[%swap3A_79], %squeeze3A_78 {strides = array<i32>} : memref<1136xf32, #tpu.memory_space<vmem>>, vector<48xf32>,
      %slice3A_81 = vector.extract_strided_slice %get3A_1 {offsets = [0, 208], sizes = [2, 32], strides = [1, 1]} : vector<2x240xf32> to vector<2x32xf32>
      %get3A_82 = arith.constant 0 : index
      %get3A_83 = arith.constant 0 : index
      %get3A_84 = vector.load %arg7[%get3A_82, %get3A_83] : memref<32x7xf32, #tpu.memory_space<vmem>>, vector<32x7xf32>
      %dot_general3A_85 = arith.constant dense<0.000000e+00> : vector<2x7xf32>
      %dot_general3A_86 = tpu.matmul %slice3A_81, %get3A_84, %dot_general3A_85 {dimension_numbers = #tpu.dot_dimension_numbers<[1], [0], [0], [1], [0, 0, 1, 1], [], []>, transpose_lhs_hint = false} : vector<2x32xf32>, vector<32x7xf32>, vector<2x7xf32> -> vector<2x7xf32>
      %slice3A_87 = vector.extract_strided_slice %dot_general3A_86 {offsets = [0, 0], sizes = [1, 7], strides = [1, 1]} : vector<2x7xf32> to vector<1x7xf32>
      %squeeze3A_88 = vector.shape_cast %slice3A_87 : vector<1x7xf32> to vector<7xf32>
      %swap3A_89 = arith.constant 1128 : index
      %swap3A_90 = vector.load %arg11[%swap3A_89] : memref<1136xf32, #tpu.memory_space<vmem>>, vector<7xf32>
      tpu.vector_store %arg11[%swap3A_89], %squeeze3A_88 {strides = array<i32>} : memref<1136xf32, #tpu.memory_space<vmem>>, vector<7xf32>,
      %slice3A_91 = vector.extract_strided_slice %dot_general3A_86 {offsets = [1, 0], sizes = [1, 7], strides = [1, 1]} : vector<2x7xf32> to vector<1x7xf32>
      %squeeze3A_92 = vector.shape_cast %slice3A_91 : vector<1x7xf32> to vector<7xf32>
      %swap3A_93 = arith.constant 1128 : index
      %swap3A_94 = vector.load %arg12[%swap3A_93] : memref<1136xf32, #tpu.memory_space<vmem>>, vector<7xf32>
      tpu.vector_store %arg12[%swap3A_93], %squeeze3A_92 {strides = array<i32>} : memref<1136xf32, #tpu.memory_space<vmem>>, vector<7xf32>,
    } else {
    }
    return
  }
  func.func @transform_0(%arg0: i32) -> (i32, i32) {
    %c0_i32 = arith.constant 0 : i32
    %c0_i32_0 = arith.constant 0 : i32
    return %c0_i32, %arg0 : i32, i32
  }
  func.func @transform_1(%arg0: i32) -> (i32, i32) {
    %c0_i32 = arith.constant 0 : i32
    %c0_i32_0 = arith.constant 0 : i32
    %c0_i32_1 = arith.constant 0 : i32
    return %c0_i32, %c0_i32_0 : i32, i32
  }
  func.func @transform_2(%arg0: i32) -> (i32, i32) {
    %c0_i32 = arith.constant 0 : i32
    %c0_i32_0 = arith.constant 0 : i32
    %c0_i32_1 = arith.constant 0 : i32
    return %c0_i32, %c0_i32_0 : i32, i32
  }
  func.func @transform_3(%arg0: i32) -> (i32, i32) {
    %c0_i32 = arith.constant 0 : i32
    %c0_i32_0 = arith.constant 0 : i32
    %c0_i32_1 = arith.constant 0 : i32
    return %c0_i32, %c0_i32_0 : i32, i32
  }
  func.func @transform_4(%arg0: i32) -> (i32, i32) {
    %c0_i32 = arith.constant 0 : i32
    %c0_i32_0 = arith.constant 0 : i32
    %c0_i32_1 = arith.constant 0 : i32
    return %c0_i32, %c0_i32_0 : i32, i32
  }
  func.func @transform_5(%arg0: i32) -> (i32, i32) {
    %c0_i32 = arith.constant 0 : i32
    %c0_i32_0 = arith.constant 0 : i32
    %c0_i32_1 = arith.constant 0 : i32
    return %c0_i32, %c0_i32_0 : i32, i32
  }
  func.func @transform_6(%arg0: i32) -> (i32, i32) {
    %c0_i32 = arith.constant 0 : i32
    %c0_i32_0 = arith.constant 0 : i32
    %c0_i32_1 = arith.constant 0 : i32
    return %c0_i32, %c0_i32_0 : i32, i32
  }
  func.func @transform_7(%arg0: i32) -> (i32, i32) {
    %c0_i32 = arith.constant 0 : i32
    %c0_i32_0 = arith.constant 0 : i32
    return %c0_i32, %arg0 : i32, i32
  }
  func.func @transform_8(%arg0: i32) -> i32 {
    %c0_i32 = arith.constant 0 : i32
    return %arg0 : i32
  }
  func.func @transform_9(%arg0: i32) -> i32 {
    %c0_i32 = arith.constant 0 : i32
    return %arg0 : i32
  }
  func.func @transform_10(%arg0: i32) -> i32 {
    %c0_i32 = arith.constant 0 : i32
    %c0_i32_0 = arith.constant 0 : i32
    return %c0_i32 : i32
  }
  func.func @transform_11(%arg0: i32) -> i32 {
    %c0_i32 = arith.constant 0 : i32
    %c0_i32_0 = arith.constant 0 : i32
    return %c0_i32 : i32
  }
  func.func @transform_12(%arg0: i32) -> i32 {
    %c0_i32 = arith.constant 0 : i32
    return %arg0 : i32
  }
  func.func @transform_13(%arg0: i32) -> i32 {
    %c0_i32 = arith.constant 0 : i32
    return %arg0 : i32
  }
}

</mosaic_0001>

<sc_bundles>
// kernel: kernel.4.cloned.1.call-start
scs
__scs_entry_jumppad:
0x0: {  	(pc) =	sbr.rel $0x88, $3  }
0x1: {  	(tag) =	ssettag $0x0;
	lr =	simm.s32 $0x1  }
0x2: {  	[smem:$0x3F94] =	sst lr;
	_ =	strace $0xD0000000  }
0x3: {  	_ = 	snop  }
0x4: {  	_ = 	snop  }
0x5: {  	_ = 	snop  }
0x6: {  	_ = 	snop  }
0x7: {  	_ = 	snop  }
__scs_overlays_trampoline_lowered:
0x8: {  	[smem:$0x3FA3] =	sst s0  }
0x9: {  	[smem:$0x3FA4] =	sst s1  }
0xa: {  	[smem:$0x3FA5] =	sst s2  }
0xb: {  	[smem:$0x3FA6] =	sst s3  }
0xc: {  	[smem:$0x3FA7] =	sst s4  }
0xd: {  	[smem:$0x3FA8] =	sst s5  }
0xe: {  	[smem:$0x3FA9] =	sst s6  }
0xf: {  	[smem:$0x3FAA] =	sst s7  }
0x10: {  	[smem:$0x3FAB] =	sst s8  }
0x11: {  	[smem:$0x3FAC] =	sst s9;
	s0 =	simm.s32 @!p0 $0x0  }
0x12: {  	s1 =	sld [smem:$0x3F92];
	s0 =	simm.s32 @p0 $0x1  }
0x13: {  	[smem:$0x3FAD] =	sst s0;
	s0 =	simm.s32 @!p1 $0x0  }
0x14: {  	s2 =	sld [smem:$0x3F91];
	s0 =	simm.s32 @p1 $0x1  }
0x15: {  	[smem:$0x3FAE] =	sst s0;
	s0 =	simm.s32 @!p2 $0x0  }
0x16: {  	s3 =	sld [smem:$0x3FDB];
	s0 =	simm.s32 @p2 $0x1  }
0x17: {  	s4 =	simm.s32 $0x1BF5;
	[smem:$0x3FB0] =	sst s0  }
0x18: {  	s0 =	sld [smem:$0x3F93];
	_ =	swait.ge [sflag:s4], $0x0  }
0x19: {  	s7 =	sld [smem:$0x3F94]  }
0x1a: {  	s8 =	sadd.s32 $0xFFFFE003, lr  }
0x1b: {  	s9 =	sadd.s32 $0xFFFFFEF7, lr;
	s5 =	simm.s32 $0xFFFFFFFF;
	p2 =	slt.u32 s8, $0xFFFFF086  }
0x1c: {  	p1 =	slt.u32 s9, $0xF7A;
	s5 =	simm.s32 @!p2 $0x0  }
0x1d: {  	s5 =	simm.s32 @p1 $0x1;
	p0 =	seq.s32 s7, s2  }
0x1e: {  	s7 =	smul.u32 @!p0 $0xF7A, s2;
	p2 =	seq.s32 @!p0 s5, $0x0  }
0x1f: {  	s9 =	smul.u32 $0xF7A, s1;
	s8 =	simm.s32 @!p0 $0x1BF5;
	p2 =	por !p2, p0  }
0x20: {  	[sflag:s8] =	ssyncset.s32 @!p0 $0xFFFFF086;
	s6 =	sadd.s32 @!p0 s3, s7;
	s7 =	simm.s32 @!p0 $0x108  }
0x21: {  	s3 =	sadd.s32 s3, s9;
	s6 =	sadd.s32 @!p0 $0x88, s6;
	s7 =	simm.s32 @p2 $0x1082  }
0x22: {  	[simem:s7], [sflag:s8] =	dma.local @!p0 [hbm:s6], $0xF7A  }
0x23: {  	s9 =	sor.u32 $0xD0000000, s2;
	s6 =	simm.s32 $0x108;
	_ =	swait.ge @!p0 [sflag:s8], $0x0  }
0x24: {  	s3 =	sadd.s32 $0x88, s3;
	s6 =	simm.s32 @!p1 $0x1082;
	[sflag:s4] =	ssyncset.s32 $0xFFFFF086  }
0x25: {  	[simem:s6], [sflag:s4] =	dma.local [hbm:s3], $0xF7A  }
0x26: {  	[smem:$0x3F94] =	sst s1;
	(tag) =	ssettag s2;
	_ =	strace s9  }
0x27: {  	s1 =	sld [smem:$0x3FA4]  }
0x28: {  	s2 =	sld [smem:$0x3FA5]  }
0x29: {  	s4 =	sld [smem:$0x3FA7]  }
0x2a: {  	p0 =	seq.s32 s5, $0x0;
	s5 =	sld [smem:$0x3FA8]  }
0x2b: {  	s6 =	sld [smem:$0x3FA9]  }
0x2c: {  	s7 =	sld [smem:$0x3FAA]  }
0x2d: {  	s3 =	simm.s32 $0x108;
	s8 =	sld [smem:$0x3FAB]  }
0x2e: {  	s3 =	simm.s32 @!p0 $0x1082;
	s9 =	sld [smem:$0x3FAC]  }
0x2f: {  	lr =	sadd.s32 s0, s3;
	s0 =	sld [smem:$0x3FA3]  }
0x30: {  	s3 =	sld [smem:$0x3FA6]  }
0x31: {  	[smem:$0x3FAF] =	sst s10  }
0x32: {  	s10 =	sld [smem:$0x3FAD];
	_ =	sdelay $0x3  }
0x33: {  	p0 =	seq.s32 s10, $0x1;
	s10 =	sld [smem:$0x3FAF];
	_ =	sdelay $0x3  }
0x34: {  	[smem:$0x3FAF] =	sst s10  }
0x35: {  	s10 =	sld [smem:$0x3FAE];
	_ =	sdelay $0x3  }
0x36: {  	p1 =	seq.s32 s10, $0x1;
	s10 =	sld [smem:$0x3FAF];
	_ =	sdelay $0x3  }
0x37: {  	[smem:$0x3FAF] =	sst s10  }
0x38: {  	s10 =	sld [smem:$0x3FB0]  }
0x39: {  	_ = 	snop;
	(pc) =	sbr.ind lr, $3  }
0x3a: {  	_ = 	snop  }
0x3b: {  	_ = 	snop  }
0x3c: {  	p2 =	seq.s32 s10, $0x1;
	s10 =	sld [smem:$0x3FAF]  }
0x3d: {  	_ =	shalt  }
0x3e: {  	_ =	shalt  }
0x3f: {  	_ =	shalt  }
0x40: {  	_ =	shalt  }
0x41: {  	_ =	shalt  }
0x42: {  	_ =	shalt  }
0x43: {  	_ =	shalt  }
0x44: {  	_ =	shalt  }
0x45: {  	_ =	shalt  }
0x46: {  	_ =	shalt  }
0x47: {  	_ =	shalt  }
0x48: {  	_ =	shalt  }
0x49: {  	_ =	shalt  }
0x4a: {  	_ =	shalt  }
0x4b: {  	_ =	shalt  }
0x4c: {  	_ =	shalt  }
0x4d: {  	_ =	shalt  }
0x4e: {  	_ =	shalt  }
0x4f: {  	_ =	shalt  }
0x50: {  	_ =	shalt  }
0x51: {  	_ =	shalt  }
0x52: {  	_ =	shalt  }
0x53: {  	_ =	shalt  }
0x54: {  	_ =	shalt  }
0x55: {  	_ =	shalt  }
0x56: {  	_ =	shalt  }
0x57: {  	_ =	shalt  }
0x58: {  	_ =	shalt  }
0x59: {  	_ =	shalt  }
0x5a: {  	_ =	shalt  }
0x5b: {  	_ =	shalt  }
0x5c: {  	_ =	shalt  }
0x5d: {  	_ =	shalt  }
0x5e: {  	_ =	shalt  }
0x5f: {  	_ =	shalt  }
0x60: {  	_ =	shalt  }
0x61: {  	_ =	shalt  }
0x62: {  	_ =	shalt  }
0x63: {  	_ =	shalt  }
0x64: {  	_ =	shalt  }
0x65: {  	_ =	shalt  }
0x66: {  	_ =	shalt  }
0x67: {  	_ =	shalt  }
0x68: {  	_ =	shalt  }
0x69: {  	_ =	shalt  }
0x6a: {  	_ =	shalt  }
0x6b: {  	_ =	shalt  }
0x6c: {  	_ =	shalt  }
0x6d: {  	_ =	shalt  }
0x6e: {  	_ =	shalt  }
0x6f: {  	_ =	shalt  }
0x70: {  	_ =	shalt  }
0x71: {  	_ =	shalt  }
0x72: {  	_ =	shalt  }
0x73: {  	_ =	shalt  }
0x74: {  	_ =	shalt  }
0x75: {  	_ =	shalt  }
0x76: {  	_ =	shalt  }
0x77: {  	_ =	shalt  }
0x78: {  	_ =	shalt  }
0x79: {  	_ =	shalt  }
0x7a: {  	_ =	shalt  }
0x7b: {  	_ =	shalt  }
0x7c: {  	_ =	shalt  }
0x7d: {  	_ =	shalt  }
0x7e: {  	_ =	shalt  }
0x7f: {  	_ =	shalt  }
0x80: {  	_ =	shalt  }
0x81: {  	_ =	shalt  }
0x82: {  	_ =	shalt  }
0x83: {  	_ =	shalt  }
0x84: {  	_ =	shalt  }
0x85: {  	_ =	shalt  }
0x86: {  	_ =	shalt  }
0x87: {  	_ =	shalt  }
.Lfunc_end0:
.L_simem_size_0:
called_computation_lowered:
.L_overlay_start_0:
0x88: {  	s2 =	sld [smem:$0x3FD9]  }
0x89: {  	s3 =	sld [smem:$0x3FFE];
	_ =	sdelay $0x1  }
0x8a: {  	s1 =	srdreg.scid  }
0x8b: {  	s0 =	sand.u32 $0x1, s1  }
0x8c: {  	s17 =	sshll.u32 s0, $0xA;
	s2 =	sadd.s32 s3, s2  }
0x8d: {  	s2 =	sadd.s32 s2, s17  }
0x8e: {  	[smem:$0x3FBB] =	sst s2  }
0x8f: {  	_ = 	snop  }
0x90: {  	s2 =	sld [smem:$0x3FC8]  }
0x91: {  	s18 =	sld [smem:$0x3FC7]  }
0x92: {  	s4 =	sld [smem:$0x3FC6]  }
0x93: {  	s5 =	sld [smem:$0x3FC5]  }
0x94: {  	s6 =	sld [smem:$0x3FC4]  }
0x95: {  	s7 =	sld [smem:$0x3FD0];
	(tm) =	ssettm $0x1  }
0x96: {  	s8 =	sld [smem:$0x3FFB];
	_ =	sdelay $0x3  }
0x97: {  	_ =	strace s8  }
0x98: {  	s8 =	sld [smem:$0x3FFC];
	_ =	sdelay $0x3  }
0x99: {  	_ =	strace s8  }
0x9a: {  	s8 =	sld [smem:$0x3FFD];
	_ =	sdelay $0x3  }
0x9b: {  	_ =	strace s8  }
0x9c: {  	_ =	strace $0x8FFFFFFF  }
0x9d: {  	s19 =	sld [smem:$0x3FDB];
	_ =	sdelay $0x1  }
0x9e: {  	s9 =	simm.s32 $_scs_section_size  }
0x9f: {  	s10 =	simm.s32 $_size__tile_overlayer_lowered;
	s11 =	simm.s32 $_tile_overlayer_lowered  }
0xa0: {  	s22 =	simm.s32 $0x1BFF;
	s21 =	sshll.u32 s11, $0x1;
	s8 =	sadd.s32 s9, s19  }
0xa1: {  	s12 =	simm.s32 $0x0;
	s20 =	sshll.u32 s10, $0x1;
	s10 =	sadd.s32 s21, s8  }
0xa2: {  	[timem:s12], [sflag:s22] =	dma.local [hbm:s10], s20  }
0xa3: {  	_ =	swait.ge [sflag:s22], s20  }
0xa4: {  	s9 =	ssub.s32 $0x0, s20;
	[sflag:s22] =	ssyncset.done $0x0  }
0xa5: {  	[sflag:s22] =	ssyncadd.s32 s9;
	_ =	sdelay $0x1  }
0xa6: {  	s23 =	simm.s32 $0x1B8B  }
0xa7: {  	_ =	swait.ge [sflag:s23], $0x1  }
0xa8: {  	[sflag:s23] =	ssyncset.done $0x0  }
0xa9: {  	s25 =	simm.s32 $0x1B8E;
	s24 =	sld [smem:$0x3FFE];
	[sflag:s23] =	ssyncadd.s32 $0xFFFFFFFF  }
0xaa: {  	s26 =	simm.s32 $execute0_lowered;
	[smem:$0x3FD2] =	sst s25  }
0xab: {  	s10 =	sshll.u32 s26, $0x1;
	_ =	strace $0x80000046;
	[dreg:$0x1] =	wrdreg $0xFFFFFFFF  }
0xac: {  	s28 =	simm.s32 $_size_execute0_lowered;
	s8 =	sadd.s32 s8, s10;
	[dreg:$0x0] =	wrdreg $0x0  }
0xad: {  	s10 =	sshll.u32 s28, $0x1;
	[dreg:$0x2] =	wrdreg s8  }
0xae: {  	[dreg:$0x3] =	wrdreg s10  }
0xaf: {  	[dreg:$0x4] =	wrdreg $0xC0  }
0xb0: {  	_ =	task [dreg:s12], $0x5FFFF  }
0xb1: {  	[dreg:$0x1] =	wrdreg $0xFFFFFFFF  }
0xb2: {  	[dreg:$0x0] =	wrdreg $0x60  }
0xb3: {  	[dreg:$0x2] =	wrdreg s24  }
0xb4: {  	[dreg:$0x3] =	wrdreg s2  }
0xb5: {  	[dreg:$0x4] =	wrdreg s18  }
0xb6: {  	[dreg:$0x5] =	wrdreg s4  }
0xb7: {  	[dreg:$0x6] =	wrdreg s5  }
0xb8: {  	[dreg:$0x7] =	wrdreg s6  }
0xb9: {  	[dreg:$0x8] =	wrdreg s7  }
0xba: {  	[dreg:$0x9] =	wrdreg $0x9  }
0xbb: {  	_ =	task.clear_ibuf [dreg:s12], $0xAFFFF;
	_ =	strace $0x90000046  }
0xbc: {  	s29 =	simm.s32 $0x9;
	_ =	strace $0x80000048  }
0xbd: {  	_ =	swait.ge [sflag:s29], $0x1  }
0xbe: {  	[sflag:s29] =	ssyncadd.s32 $0xFFFFFFFF  }
0xbf: {  	_ =	strace $0x90000048  }
0xc0: {  	_ =	sfence  }
0xc1: {  	s30 =	sld [smem:$0x0];
	_ =	sdelay $0x2  }
0xc2: {  	s31 =	sshll.u32 s1, $0xD;
	s1 =	sshrl.u32 s1, $0x2  }
0xc3: {  	s3 =	sand.u32 $0x4000, s31;
	s1 =	sadd.s32 s1, s30  }
0xc4: {  	s0 =	sor.u32 s3, s0;
	s1 =	sshll.u32 s1, $0x11  }
0xc5: {  	s0 =	sor.u32 s1, s0  }
0xc6: {  	s0 =	sadd.s32 $0x8F2B, s0  }
0xc7: {  	[sflag:s0] =	ssyncadd.remote.s32 $0x1  }
0xc8: {  	_ =	sfence.sel $0xFFFF  }
0xc9: {  	[dreg:$0x0] =	wrdreg $0xFFFFFFFF;
	(pc) =	sbr.abs _section_cstart, $3  }
0xca: {  	[dreg:$0x1] =	wrdreg $0xFFFFFFFF  }
0xcb: {  	_ =	task.clear_ibuf [dreg:s12], $0x2FFFF;
	_ =	strace $0x9FFFFFFF  }
0xcc: {  	(tm) =	ssettm $0x7FFFFFFF  }
0xcd: {  	_ =	shalt  }
tec
execute0_lowered:
.L_overlay_start_1:
0x0: {  	(tag) =	ssettag $0x1  }
0x1: {  	s0 =	rddreg [dreg:$0x0]  }
0x2: {  	s1 =	rddreg [dreg:$0x1]  }
0x3: {  	s3 =	rddreg [dreg:$0x2]  }
0x4: {  	s9 =	rddreg [dreg:$0x3]  }
0x5: {  	s10 =	rddreg [dreg:$0x4]  }
0x6: {  	s2 =	srdreg.scid;
	s11 =	rddreg [dreg:$0x5]  }
0x7: {  	s4 =	stileid.u32;
	s13 =	rddreg [dreg:$0x6];
	s30 =	simm.s32 $0xE00  }
0x8: {  	s31 =	simm.s32 $0x1270;
	s28 =	simm.s32 $0x100;
	s29 =	simm.s32 $0x2  }
0x9: {  	s5 =	sand.u32 $0x1, s2;
	s4 =	sshll.u32 s4, $0xA;
	s2 =	simm.s32 $0x0  }
0xa: {  	s23 =	sadd.s32 $0x9800, s0;
	s24 =	sadd.s32 $0x9A00, s0;
	s6 =	sshll.u32 s5, $0x9  }
0xb: {  	[smem:$0x7FF] =	sst s2;
	s7 =	ssub.s32 $0x2, s5;
	s5 =	sadd.s32 $0x2000, s0  }
0xc: {  	s12 =	sor.u32 s6, s4;
	_ =	strace $0x80000047;
	[dreg:$0x8] =	wrdreg s23  }
0xd: {  	[dreg:$0x9] =	wrdreg s24;
	s6 =	sadd.s32 $0x5400, s0;
	s25 =	sshrl.u32 s7, $0x1  }
0xe: {  	s24 =	simm.s32 $0x180;
	s14 =	sshrl.u32 s12, $0x3;
	s26 =	sshrl.u32 s12, $0x2  }
0xf: {  	s15 =	sadd.s32 s14, s0;
	s0 =	ssub.s32 s7, s25;
	s7 =	sadd.s32 s1, s14  }
0x10: {  	s8 =	sadd.s32 s3, s14;
	s9 =	sadd.s32 s9, s14;
	s10 =	sadd.s32 s10, s14  }
0x11: {  	s11 =	sadd.s32 s11, s14;
	s13 =	sadd.s32 s13, s26;
	s1 =	simm.s32 $0x1  }
0x12: {  	s26 =	simm.s32 $0x0;
	s12 =	sadd.s32 $0x8800, s15;
	s14 =	sadd.s32 $0x9000, s15  }
0x13: {  	s15 =	sadd.s32 $0x10, s13;
	s16 =	sadd.s32 $0x20, s13;
	s17 =	sadd.s32 $0x30, s13  }
0x14: {  	s18 =	sadd.s32 $0x40, s13;
	s19 =	sadd.s32 $0x50, s13;
	s20 =	sadd.s32 $0x60, s13  }
0x15: {  	s21 =	sadd.s32 $0x70, s13;
	s22 =	smax.u32 s0, $0x1;
	s0 =	simm.s32 $0x80  }
.LBB2_1:
0x16: {  	[tilespmem:s2], [sflag:$0x1] =	stream.linear.gather [hbm4b:s7+s2], $0x200, $0x38;
	[tilespmem:$0x1EE0] =	vst v63  }
0x17: {  	s3 =	simm.s32 $0x200  }
0x18: {  	[tilespmem:s3], [sflag:$0x2] =	stream.linear.gather [hbm4b:s8+s2], $0x200, $0x38;
	[tilespmem:$0x1EE0] =	vst v63  }
0x19: {  	s4 =	simm.s32 $0x400  }
0x1a: {  	[tilespmem:s4], [sflag:$0x2] =	stream.linear.gather [hbm4b:s9+s2], $0x200, $0x38;
	[tilespmem:$0x1EE0] =	vst v63  }
0x1b: {  	s23 =	simm.s32 $0x600  }
0x1c: {  	[tilespmem:s23], [sflag:$0x2] =	stream.linear.gather [hbm4b:s10+s2], $0x200, $0x38;
	[tilespmem:$0x1EE0] =	vst v63  }
0x1d: {  	s25 =	simm.s32 $0x800  }
0x1e: {  	[tilespmem:s25], [sflag:$0x2] =	stream.linear.gather [hbm4b:s11+s2], $0x200, $0x38;
	[tilespmem:$0x1EE0] =	vst v63  }
0x1f: {  	s4 =	simm.s32 $0xA00  }
0x20: {  	[tilespmem:s4], [sflag:$0x2] =	stream.linear.gather [hbm4b:s12+s2], $0x200, $0x38;
	[tilespmem:$0x1EE0] =	vst v63  }
0x21: {  	s23 =	simm.s32 $0xC00  }
0x22: {  	[tilespmem:s23], [sflag:$0x2] =	stream.linear.gather [hbm4b:s14+s2], $0x200, $0x38;
	[tilespmem:$0x1EE0] =	vst v63  }
0x23: {  	s25 =	rddreg [dreg:$0x8]  }
0x24: {  	[tilespmem:s30], [sflag:$0x2] =	stream.linear.gather [hbm4b:s25+s2], $0x470, $0x38;
	[tilespmem:$0x1EE0] =	vst v63  }
0x25: {  	s4 =	rddreg [dreg:$0x9]  }
0x26: {  	[tilespmem:s31], [sflag:$0x2] =	stream.linear.gather [hbm4b:s4+s2], $0x470, $0x38;
	[tilespmem:$0x1EE0] =	vst v63  }
0x27: {  	_ =	swait.ge [sflag:s1], $0x200  }
0x28: {  	[sflag:s1] =	ssyncset.done $0x0  }
0x29: {  	[sflag:s1] =	ssyncadd.s32 $0xFFFFFE00  }
0x2a: {  	v0 =	vld [tilespmem:$0x0]  }
0x2b: {  	v1 =	vld [tilespmem:$0x10]  }
0x2c: {  	v2 =	vld [tilespmem:$0x20]  }
0x2d: {  	v3 =	vld [tilespmem:$0x30]  }
0x2e: {  	v4 =	vld [tilespmem:$0x40]  }
0x2f: {  	v5 =	vld [tilespmem:$0x50];
	v0 =	vadd.s32 $0x1, v0  }
0x30: {  	[tilespmem:$0x0] =	vst v0;
	v0 =	vadd.s32 $0x1, v1;
	v1 =	vld [tilespmem:$0x60]  }
0x31: {  	[tilespmem:$0x10] =	vst v0;
	v0 =	vadd.s32 $0x1, v2;
	v2 =	vld [tilespmem:$0x70]  }
0x32: {  	[tilespmem:$0x20] =	vst v0;
	v0 =	vadd.s32 $0x1, v3;
	v3 =	vld [tilespmem:$0x80]  }
0x33: {  	[tilespmem:$0x30] =	vst v0;
	v0 =	vadd.s32 $0x1, v4;
	v4 =	vld [tilespmem:$0x90]  }
0x34: {  	[tilespmem:$0x40] =	vst v0;
	v0 =	vadd.s32 $0x1, v5;
	v5 =	vld [tilespmem:$0xA0]  }
0x35: {  	[tilespmem:$0x50] =	vst v0;
	v0 =	vadd.s32 $0x1, v1;
	v1 =	vld [tilespmem:$0xB0]  }
0x36: {  	[tilespmem:$0x60] =	vst v0;
	v0 =	vadd.s32 $0x1, v2;
	v2 =	vld [tilespmem:$0xC0]  }
0x37: {  	[tilespmem:$0x70] =	vst v0;
	v0 =	vadd.s32 $0x1, v3;
	v3 =	vld [tilespmem:$0xD0]  }
0x38: {  	[tilespmem:$0x80] =	vst v0;
	v0 =	vadd.s32 $0x1, v4;
	v4 =	vld [tilespmem:$0xE0]  }
0x39: {  	[tilespmem:$0x90] =	vst v0;
	v0 =	vadd.s32 $0x1, v5;
	v5 =	vld [tilespmem:$0xF0]  }
0x3a: {  	[tilespmem:$0xA0] =	vst v0;
	v0 =	vadd.s32 $0x1, v1;
	v1 =	vld [tilespmem:$0x100]  }
0x3b: {  	[tilespmem:$0xB0] =	vst v0;
	v0 =	vadd.s32 $0x1, v2;
	v2 =	vld [tilespmem:$0x110]  }
0x3c: {  	[tilespmem:$0xC0] =	vst v0;
	v0 =	vadd.s32 $0x1, v3;
	v3 =	vld [tilespmem:$0x120]  }
0x3d: {  	[tilespmem:$0xD0] =	vst v0;
	v0 =	vadd.s32 $0x1, v4;
	v4 =	vld [tilespmem:$0x130]  }
0x3e: {  	[tilespmem:$0xE0] =	vst v0;
	v0 =	vadd.s32 $0x1, v5;
	v5 =	vld [tilespmem:$0x140]  }
0x3f: {  	[tilespmem:$0xF0] =	vst v0;
	v0 =	vadd.s32 $0x1, v1;
	v1 =	vld [tilespmem:$0x150]  }
0x40: {  	[tilespmem:$0x100] =	vst v0;
	v0 =	vadd.s32 $0x1, v2;
	v2 =	vld [tilespmem:$0x160]  }
0x41: {  	[tilespmem:$0x110] =	vst v0;
	v0 =	vadd.s32 $0x1, v3;
	v3 =	vld [tilespmem:$0x170]  }
0x42: {  	[tilespmem:$0x120] =	vst v0;
	v0 =	vadd.s32 $0x1, v4;
	v4 =	vld [tilespmem:$0x180]  }
0x43: {  	[tilespmem:$0x130] =	vst v0;
	v0 =	vadd.s32 $0x1, v5;
	v5 =	vld [tilespmem:$0x190]  }
0x44: {  	[tilespmem:$0x140] =	vst v0;
	v0 =	vadd.s32 $0x1, v1;
	v1 =	vld [tilespmem:$0x1A0]  }
0x45: {  	[tilespmem:$0x150] =	vst v0;
	v0 =	vadd.s32 $0x1, v2;
	v2 =	vld [tilespmem:$0x1B0]  }
0x46: {  	[tilespmem:$0x160] =	vst v0;
	v0 =	vadd.s32 $0x1, v3;
	v3 =	vld [tilespmem:$0x1C0]  }
0x47: {  	[tilespmem:$0x170] =	vst v0;
	v0 =	vadd.s32 $0x1, v4;
	v4 =	vld [tilespmem:$0x1D0]  }
0x48: {  	[tilespmem:$0x180] =	vst v0;
	v0 =	vadd.s32 $0x1, v5;
	v5 =	vld [tilespmem:$0x1E0]  }
0x49: {  	[tilespmem:$0x190] =	vst v0;
	v0 =	vadd.s32 $0x1, v1;
	v1 =	vld [tilespmem:$0x1F0]  }
0x4a: {  	[tilespmem:$0x1A0] =	vst v0;
	v0 =	vadd.s32 $0x1, v2  }
0x4b: {  	[tilespmem:$0x1B0] =	vst v0;
	v0 =	vadd.s32 $0x1, v3  }
0x4c: {  	[tilespmem:$0x1C0] =	vst v0;
	v0 =	vadd.s32 $0x1, v4  }
0x4d: {  	[tilespmem:$0x1D0] =	vst v0;
	v0 =	vadd.s32 $0x1, v5  }
0x4e: {  	[tilespmem:$0x1E0] =	vst v0;
	v0 =	vadd.s32 $0x1, v1  }
0x4f: {  	s23 =	simm.s32 $0x16E0;
	[tilespmem:$0x1F0] =	vst v0  }
0x50: {  	[tilespmem:s23], [sflag:$0x1] =	stream.indirect.gather [hbm4b:s5+s0], $0x1, s2, s0, $0xb8;
	[tilespmem:$0x1EE0] =	vst v63  }
0x51: {  	s25 =	simm.s32 $0x18E0  }
0x52: {  	[tilespmem:s25], [sflag:$0x1] =	stream.indirect.gather [hbm4b:s6+s0], $0x1, s2, s0, $0xb8;
	[tilespmem:$0x1EE0] =	vst v63  }
0x53: {  	s4 =	simm.s32 $0x1760  }
0x54: {  	[tilespmem:s4], [sflag:$0x1] =	stream.indirect.gather [hbm4b:s5+s0], $0x1, s0, s0, $0xb8;
	[tilespmem:$0x1EE0] =	vst v63  }
0x55: {  	s23 =	simm.s32 $0x1960  }
0x56: {  	[tilespmem:s23], [sflag:$0x1] =	stream.indirect.gather [hbm4b:s6+s0], $0x1, s0, s0, $0xb8;
	[tilespmem:$0x1EE0] =	vst v63  }
0x57: {  	s25 =	simm.s32 $0x17E0  }
0x58: {  	[tilespmem:s25], [sflag:$0x1] =	stream.indirect.gather [hbm4b:s5+s0], $0x1, s28, s0, $0xb8;
	[tilespmem:$0x1EE0] =	vst v63  }
0x59: {  	s4 =	simm.s32 $0x19E0  }
0x5a: {  	[tilespmem:s4], [sflag:$0x1] =	stream.indirect.gather [hbm4b:s6+s0], $0x1, s28, s0, $0xb8;
	[tilespmem:$0x1EE0] =	vst v63  }
0x5b: {  	s23 =	simm.s32 $0x1860  }
0x5c: {  	[tilespmem:s23], [sflag:$0x1] =	stream.indirect.gather [hbm4b:s5+s0], $0x1, s24, s0, $0xb8;
	[tilespmem:$0x1EE0] =	vst v63  }
0x5d: {  	s25 =	simm.s32 $0x1A60  }
0x5e: {  	[tilespmem:s25], [sflag:$0x1] =	stream.indirect.gather [hbm4b:s6+s0], $0x1, s24, s0, $0xb8;
	[tilespmem:$0x1EE0] =	vst v63  }
0x5f: {  	_ =	swait.ge [sflag:s29], $0x200  }
0x60: {  	[sflag:s29] =	ssyncset.done $0x0  }
0x61: {  	[sflag:s29] =	ssyncadd.s32 $0xFFFFFE00  }
0x62: {  	_ =	swait.ge [sflag:s29], $0x200  }
0x63: {  	[sflag:s29] =	ssyncset.done $0x0  }
0x64: {  	[sflag:s29] =	ssyncadd.s32 $0xFFFFFE00  }
0x65: {  	_ =	swait.ge [sflag:s29], $0x200  }
0x66: {  	[sflag:s29] =	ssyncset.done $0x0  }
0x67: {  	[sflag:s29] =	ssyncadd.s32 $0xFFFFFE00  }
0x68: {  	_ =	swait.ge [sflag:s29], $0x200  }
0x69: {  	[sflag:s29] =	ssyncset.done $0x0  }
0x6a: {  	[sflag:s29] =	ssyncadd.s32 $0xFFFFFE00  }
0x6b: {  	_ =	swait.ge [sflag:s29], $0x200  }
0x6c: {  	[sflag:s29] =	ssyncset.done $0x0  }
0x6d: {  	[sflag:s29] =	ssyncadd.s32 $0xFFFFFE00  }
0x6e: {  	_ =	swait.ge [sflag:s29], $0x200  }
0x6f: {  	[sflag:s29] =	ssyncset.done $0x0  }
0x70: {  	[sflag:s29] =	ssyncadd.s32 $0xFFFFFE00  }
0x71: {  	_ =	swait.ge [sflag:s29], $0x470  }
0x72: {  	[sflag:s29] =	ssyncset.done $0x0  }
0x73: {  	[sflag:s29] =	ssyncadd.s32 $0xFFFFFB90  }
0x74: {  	_ =	swait.ge [sflag:s29], $0x470  }
0x75: {  	[sflag:s29] =	ssyncset.done $0x0  }
0x76: {  	[sflag:s29] =	ssyncadd.s32 $0xFFFFFB90  }
0x77: {  	_ =	swait.ge [sflag:s1], $0x80  }
0x78: {  	[sflag:s1] =	ssyncset.done $0x0  }
0x79: {  	[sflag:s1] =	ssyncadd.s32 $0xFFFFFF80  }
0x7a: {  	_ =	swait.ge [sflag:s1], $0x80  }
0x7b: {  	[sflag:s1] =	ssyncset.done $0x0  }
0x7c: {  	[sflag:s1] =	ssyncadd.s32 $0xFFFFFF80  }
0x7d: {  	_ =	swait.ge [sflag:s1], $0x80  }
0x7e: {  	[sflag:s1] =	ssyncset.done $0x0  }
0x7f: {  	[sflag:s1] =	ssyncadd.s32 $0xFFFFFF80  }
0x80: {  	_ =	swait.ge [sflag:s1], $0x80  }
0x81: {  	[sflag:s1] =	ssyncset.done $0x0  }
0x82: {  	[sflag:s1] =	ssyncadd.s32 $0xFFFFFF80  }
0x83: {  	_ =	swait.ge [sflag:s1], $0x80  }
0x84: {  	[sflag:s1] =	ssyncset.done $0x0  }
0x85: {  	[sflag:s1] =	ssyncadd.s32 $0xFFFFFF80  }
0x86: {  	_ =	swait.ge [sflag:s1], $0x80  }
0x87: {  	[sflag:s1] =	ssyncset.done $0x0  }
0x88: {  	[sflag:s1] =	ssyncadd.s32 $0xFFFFFF80  }
0x89: {  	_ =	swait.ge [sflag:s1], $0x80  }
0x8a: {  	[sflag:s1] =	ssyncset.done $0x0  }
0x8b: {  	[sflag:s1] =	ssyncadd.s32 $0xFFFFFF80  }
0x8c: {  	_ =	swait.ge [sflag:s1], $0x80  }
0x8d: {  	[sflag:s1] =	ssyncset.done $0x0  }
0x8e: {  	s25 =	simm.s32 $0x0;
	[sflag:s1] =	ssyncadd.s32 $0xFFFFFF80  }
0x8f: {  	v0 =	vld [tilespmem:s25+$0x800]  }
0x90: {  	v1 =	vld [tilespmem:s25+$0x600]  }
0x91: {  	v2 =	vld [tilespmem:s25+$0x400]  }
0x92: {  	v3 =	vld [tilespmem:s25+$0xC00]  }
0x93: {  	v4 =	vld [tilespmem:s25+$0x200]  }
0x94: {  	v5 =	vld [tilespmem:s25+$0x18E0]  }
0x95: {  	v9 =	vld [tilespmem:s25+$0xA00]  }
0x96: {  	s23 =	simm.s32 $0x10;
	v10 =	vld [tilespmem:s25+$0x16E0]  }
0x97: {  	v11 =	vld [tilespmem:s23+$0x800]  }
0x98: {  	v12 =	vld [tilespmem:s23+$0x600];
	v4 =	vadd.s32 $0x1, v4  }
0x99: {  	v13 =	vld [tilespmem:s23+$0x400];
	v2 =	vadd.s32 $0x48, v2  }
0x9a: {  	v14 =	vld [tilespmem:s23+$0xC00]  }
0x9b: {  	v15 =	vld [tilespmem:s23+$0x18E0]  }
0x9c: {  	v16 =	vld [tilespmem:s23+$0x200];
	v1 =	vadd.s32 $0x438, v1  }
0x9d: {  	v17 =	vld.idx.msk [tilespmem:v4+s31+$0x0], $0xffff  }
0x9e: {  	v18 =	vadd.s32 $0x468, v0;
	v19 =	vld.idx.msk [tilespmem:v2+s31+$0x0], $0xffff  }
0x9f: {  	v20 =	vld.idx.msk [tilespmem:v4+s30+$0x0], $0xffff  }
0xa0: {  	v6 =	vld.idx.msk [tilespmem:v2+s30+$0x0], $0xffff  }
0xa1: {  	v2 =	vadd.f32 v5, v3;
	v7 =	vld.idx.msk [tilespmem:v1+s31+$0x0], $0xffff  }
0xa2: {  	v8 =	vld.idx.msk [tilespmem:v1+s30+$0x0], $0xffff  }
0xa3: {  	v21 =	vadd.f32 v10, v9;
	v0 =	vadd.s32 $0x468, v11;
	v9 =	vld.idx.msk [tilespmem:v18+s31+$0x0], $0xffff;
	v11 =	vadd.f32 v17, v2  }
0xa4: {  	v1 =	vadd.f32 v15, v14;
	v3 =	vadd.s32 $0x48, v13;
	v10 =	vld.idx.msk [tilespmem:v18+s30+$0x0], $0xffff;
	v5 =	vadd.s32 $0x1, v16  }
0xa5: {  	s3 =	simm.s32 $0x80;
	v4 =	vld [tilespmem:s23+$0xA00];
	v2 =	vadd.s32 $0x438, v12;
	v12 =	vadd.f32 v20, v21;
	v11 =	vadd.f32 v19, v11  }
.LBB2_2:
0xa6: {  	_ = 	snop  }
0xa7: {  	s4 =	sshra.s32 s3, $0x2;
	p0 =	sne.s32 s3, $0x7C0;
	s3 =	sadd.s32 $0x40, s3;
	v13 =	vld [tilespmem:s23+$0x16E0];
	v6 =	vadd.f32 v6, v12  }
0xa8: {  	v7 =	vadd.f32 v7, v11;
	v12 =	vld [tilespmem:s4+$0x800]  }
0xa9: {  	v11 =	vld [tilespmem:s4+$0x600];
	v6 =	vadd.f32 v8, v6  }
0xaa: {  	v7 =	vadd.f32 v9, v7;
	v8 =	vld [tilespmem:s4+$0x400]  }
0xab: {  	v9 =	vld [tilespmem:s4+$0xC00];
	v6 =	vadd.f32 v10, v6  }
0xac: {  	v10 =	vld [tilespmem:s4+$0x18E0];
	[tilespmem:s25+$0x1CE0] =	vst v7  }
0xad: {  	v14 =	vld [tilespmem:s4+$0x200];
	[tilespmem:s25+$0x1AE0] =	vst v6;
	s25 =	smov.u32 s23;
	s23 =	smov.u32 s4  }
0xae: {  	v15 =	vld.idx.msk [tilespmem:v5+s31+$0x0], $0xffff  }
0xaf: {  	v16 =	vld.idx.msk [tilespmem:v3+s31+$0x0], $0xffff  }
0xb0: {  	v12 =	vadd.s32 $0x468, v12;
	v17 =	vld.idx.msk [tilespmem:v5+s30+$0x0], $0xffff  }
0xb1: {  	v10 =	vadd.f32 v10, v9;
	v9 =	vadd.s32 $0x438, v11;
	v6 =	vld.idx.msk [tilespmem:v3+s30+$0x0], $0xffff  }
.Ltmp0:
0xb2: {  	v3 =	vadd.s32 $0x48, v8;
	v7 =	vld.idx.msk [tilespmem:v2+s31+$0x0], $0xffff;
	(pc) =	sbr.rel @p0 .LBB2_2-.Ltmp0, $4  }
0xb3: {  	v11 =	vadd.f32 v13, v4;
	v5 =	vadd.s32 $0x1, v14;
	v8 =	vld.idx.msk [tilespmem:v2+s30+$0x0], $0xffff;
	v2 =	vmov v9  }
0xb4: {  	v13 =	vadd.f32 v15, v1;
	v1 =	vmov v10;
	v9 =	vld.idx.msk [tilespmem:v0+s31+$0x0], $0xffff  }
0xb5: {  	v10 =	vld.idx.msk [tilespmem:v0+s30+$0x0], $0xffff;
	v0 =	vmov v12  }
0xb6: {  	v12 =	vadd.f32 v17, v11;
	v11 =	vadd.f32 v16, v13;
	v4 =	vld [tilespmem:s23+$0xA00]  }
0xb7: {  	_ = 	snop  }
0xb8: {  	v6 =	vadd.f32 v6, v12  }
0xb9: {  	v7 =	vadd.f32 v7, v11  }
0xba: {  	v6 =	vadd.f32 v8, v6  }
0xbb: {  	v7 =	vadd.f32 v9, v7  }
0xbc: {  	v6 =	vadd.f32 v10, v6  }
0xbd: {  	v57 =	vld [tilespmem:s23+$0x16E0];
	[tilespmem:s25+$0x1CE0] =	vst v7  }
0xbe: {  	[tilespmem:s25+$0x1AE0] =	vst v6  }
0xbf: {  	v6 =	vld.idx.msk [tilespmem:v5+s31+$0x0], $0xffff  }
0xc0: {  	v58 =	vld.idx.msk [tilespmem:v5+s30+$0x0], $0xffff  }
0xc1: {  	v7 =	vld.idx.msk [tilespmem:v3+s31+$0x0], $0xffff  }
0xc2: {  	v59 =	vld.idx.msk [tilespmem:v3+s30+$0x0], $0xffff  }
0xc3: {  	v4 =	vadd.f32 v57, v4;
	v60 =	vld.idx.msk [tilespmem:v2+s31+$0x0], $0xffff  }
0xc4: {  	v61 =	vld.idx.msk [tilespmem:v2+s30+$0x0], $0xffff;
	v1 =	vadd.f32 v6, v1  }
0xc5: {  	v62 =	vld.idx.msk [tilespmem:v0+s31+$0x0], $0xffff;
	v4 =	vadd.f32 v58, v4  }
0xc6: {  	v63 =	vld.idx.msk [tilespmem:v0+s30+$0x0], $0xffff;
	v1 =	vadd.f32 v7, v1  }
0xc7: {  	v3 =	vadd.f32 v59, v4  }
0xc8: {  	v1 =	vadd.f32 v60, v1  }
0xc9: {  	v2 =	vadd.f32 v61, v3  }
0xca: {  	v1 =	vadd.f32 v62, v1  }
0xcb: {  	v0 =	vadd.f32 v63, v2  }
0xcc: {  	[tilespmem:s23+$0x1CE0] =	vst v1  }
0xcd: {  	s3 =	simm.s32 $0x1AE0;
	[tilespmem:s23+$0x1AE0] =	vst v0  }
0xce: {  	[hbm4b:s13+s2] =	stream.linear.scatter [tilespmem:s3], [sflag:$0x1], $0x80, $0x38;
	[tilespmem:$0x1EE0] =	vst v63  }
0xcf: {  	s25 =	simm.s32 $0x1CE0  }
0xd0: {  	[hbm4b:s15+s2] =	stream.linear.scatter [tilespmem:s25], [sflag:$0x1], $0x80, $0x38;
	[tilespmem:$0x1EE0] =	vst v63  }
0xd1: {  	s4 =	simm.s32 $0x1B60  }
0xd2: {  	[hbm4b:s16+s2] =	stream.linear.scatter [tilespmem:s4], [sflag:$0x1], $0x80, $0x38;
	[tilespmem:$0x1EE0] =	vst v63  }
0xd3: {  	s23 =	simm.s32 $0x1D60  }
0xd4: {  	[hbm4b:s17+s2] =	stream.linear.scatter [tilespmem:s23], [sflag:$0x1], $0x80, $0x38;
	[tilespmem:$0x1EE0] =	vst v63  }
0xd5: {  	s25 =	simm.s32 $0x1BE0  }
0xd6: {  	[hbm4b:s18+s2] =	stream.linear.scatter [tilespmem:s25], [sflag:$0x1], $0x80, $0x38;
	[tilespmem:$0x1EE0] =	vst v63  }
0xd7: {  	s4 =	simm.s32 $0x1DE0  }
0xd8: {  	[hbm4b:s19+s2] =	stream.linear.scatter [tilespmem:s4], [sflag:$0x1], $0x80, $0x38;
	[tilespmem:$0x1EE0] =	vst v63  }
0xd9: {  	s23 =	simm.s32 $0x1C60  }
0xda: {  	[hbm4b:s20+s2] =	stream.linear.scatter [tilespmem:s23], [sflag:$0x1], $0x80, $0x38;
	[tilespmem:$0x1EE0] =	vst v63  }
0xdb: {  	s25 =	simm.s32 $0x1E60  }
0xdc: {  	[hbm4b:s21+s2] =	stream.linear.scatter [tilespmem:s25], [sflag:$0x1], $0x80, $0x38;
	[tilespmem:$0x1EE0] =	vst v63  }
0xdd: {  	_ =	swait.ge [sflag:s1], $0x80  }
0xde: {  	[sflag:s1] =	ssyncset.done $0x0  }
0xdf: {  	[sflag:s1] =	ssyncadd.s32 $0xFFFFFF80  }
0xe0: {  	_ =	swait.ge [sflag:s1], $0x80  }
0xe1: {  	[sflag:s1] =	ssyncset.done $0x0  }
0xe2: {  	[sflag:s1] =	ssyncadd.s32 $0xFFFFFF80  }
0xe3: {  	_ =	swait.ge [sflag:s1], $0x80  }
0xe4: {  	[sflag:s1] =	ssyncset.done $0x0  }
0xe5: {  	[sflag:s1] =	ssyncadd.s32 $0xFFFFFF80  }
0xe6: {  	_ =	swait.ge [sflag:s1], $0x80  }
0xe7: {  	[sflag:s1] =	ssyncset.done $0x0  }
0xe8: {  	[sflag:s1] =	ssyncadd.s32 $0xFFFFFF80  }
0xe9: {  	_ =	swait.ge [sflag:s1], $0x80  }
0xea: {  	[sflag:s1] =	ssyncset.done $0x0  }
0xeb: {  	[sflag:s1] =	ssyncadd.s32 $0xFFFFFF80  }
0xec: {  	_ =	swait.ge [sflag:s1], $0x80  }
0xed: {  	[sflag:s1] =	ssyncset.done $0x0  }
0xee: {  	s26 =	sadd.s32 $0x1, s26;
	[sflag:s1] =	ssyncadd.s32 $0xFFFFFF80  }
0xef: {  	p0 =	sne.s32 s26, s22;
	_ =	swait.ge [sflag:s1], $0x80  }
.Ltmp1:
0xf0: {  	[sflag:s1] =	ssyncset.done $0x0;
	(pc) =	sbr.rel @p0 .LBB2_1-.Ltmp1, $4  }
0xf1: {  	[sflag:s1] =	ssyncadd.s32 $0xFFFFFF80  }
0xf2: {  	_ =	swait.ge [sflag:s1], $0x80  }
0xf3: {  	[sflag:s1] =	ssyncset.done $0x0  }
0xf4: {  	[sflag:s1] =	ssyncadd.s32 $0xFFFFFF80  }
0xf5: {  	_ =	sfence.sel $0x180000  }
0xf6: {  	[bflag:$0x0] =	sbarrier.arrive $0xFFFF  }
0xf7: {  	_ =	strace $0x90000047  }
0xf8: {  	s0 =	stileid.u32;
	[bflag:$0x2] =	sbarrier.arrive $0xFFFF  }
0xf9: {  	p0 =	sne.s32 s0, $0x0;
	s0 =	rddreg [dreg:$0x7]  }
0xfa: {  	s0 =	sadd.s32 @!p0 $0x100000, s0  }
0xfb: {  	[sflag:s0] =	ssyncadd.tile.s32 @!p0 $0x1;
	_ =	shalt  }
.Lfunc_end2:
_tile_overlayer_lowered:
.L_overlay_start_2:
0xfc: {  	(tag) =	ssettag $0x2  }
0xfd: {  	s0 =	rddreg [dreg:$0x0];
	s2 =	stileid.u32  }
0xfe: {  	s1 =	rddreg [dreg:$0x1];
	p0 =	sne.s32 s2, $0x0  }
0xff: {  	s3 =	rddreg [dreg:$0x2];
	[bflag:$0x3] =	sbarrier.arrive $0xFFFF;
	s2 =	simm.s32 @!p0 $0x1C03  }
0x100: {  	[timem:s3], [sflag:s2] =	dma.local @!p0 [hbm:s0], s1  }
0x101: {  	s0 =	simm.s32 @!p0 $0x3  }
0x102: {  	_ =	swait.ge @!p0 [sflag:s0], s1  }
0x103: {  	s1 =	ssub.s32 @!p0 $0x0, s1;
	[sflag:s0] =	ssyncset.done @!p0 $0x0  }
0x104: {  	[sflag:s0] =	ssyncadd.s32 @!p0 s1  }
0x105: {  	[bflag:$0x3] =	sbarrier.arrive $0xFFFF  }
0x106: {  	_ =	shalt  }

</sc_bundles>
